<compile_context>
chip_gen: v7x
topology: tpu7x:2x2x1
jax: 0.10.2.dev20260603
libtpu: 0.0.44.dev20260713+nightly
codegen_flags: <defaults>
</compile_context>

<pallas_src>
import functools

import jax
import jax.numpy as jnp
from jax import lax
from jax.experimental import pallas as pl
from jax.experimental.pallas import tpu as pltpu
from jax.experimental.pallas import tpu_sc as plsc

_NUM_LEVELS = 8
_VOCAB = 1024
_EMBED_DIM = 64

_C = 128
_G = 2
_M = _C * _G
_NBUF = 4


@functools.lru_cache(maxsize=None)
def _build(num_rows):
    info = plsc.get_sparse_core_info()
    nc, ns = info.num_cores, info.num_subcores
    nw = nc * ns
    rows_per_w = num_rows // nw
    idx_rows_per_w = rows_per_w // _C
    nm = rows_per_w // _M
    assert nm >= 4 and (nm - 4) % _NBUF == 0

    mesh = plsc.VectorSubcoreMesh(core_axis_name="c", subcore_axis_name="s")

    @functools.partial(
        pl.kernel,
        mesh=mesh,
        out_type=jax.ShapeDtypeStruct((num_rows, _EMBED_DIM), jnp.float32),
        compiler_params=pltpu.CompilerParams(use_tc_tiling_on_sc=False),
        scratch_types=[
            pltpu.VMEM((idx_rows_per_w, _C), jnp.int32),
            pltpu.VMEM((_NBUF, _M, _EMBED_DIM), jnp.float32),
        ]
        + [pltpu.SemaphoreType.DMA] * (2 * _NBUF),
    )
    def k(idx_hbm, table_hbm, out_hbm, idx_v, rows_v, *sems):
        gsem = sems[:_NBUF]
        wsem = sems[_NBUF:]
        wid = lax.axis_index("s") * nc + lax.axis_index("c")
        row_base = wid * rows_per_w

        pltpu.sync_copy(
            idx_hbm.at[pl.ds(wid * idx_rows_per_w, idx_rows_per_w)], idx_v
        )

        def g_descs(mc, buf):
            return [
                pltpu.make_async_copy(
                    table_hbm.at[idx_v.at[mc * _G + g]],
                    rows_v.at[buf, pl.ds(g * _C, _C)],
                    gsem[buf],
                )
                for g in range(_G)
            ]

        def w_desc(mc, buf):
            return pltpu.make_async_copy(
                rows_v.at[buf],
                out_hbm.at[pl.ds(row_base + mc * _M, _M)],
                wsem[buf],
            )

        def start_g(mc, buf):
            for d in g_descs(mc, buf):
                d.start()

        def wait_g(mc, buf):
            for d in g_descs(mc, buf):
                d.wait()

        for mc in range(_NBUF):
            start_g(mc, mc)
        wait_g(0, 0)
        w_desc(0, 0).start()
        wait_g(1, 1)
        w_desc(1, 1).start()

        def body(j, carry):
            for b4 in range(_NBUF):
                mc = 2 + j * _NBUF + b4
                buf = (2 + b4) % _NBUF
                nbuf = b4 % _NBUF
                wait_g(mc, buf)
                w_desc(mc, buf).start()
                w_desc(mc - 2, nbuf).wait()
                start_g(mc + 2, nbuf)
            return carry

        lax.fori_loop(0, (nm - 4) // _NBUF, body, 0)

        for mc in (nm - 2, nm - 1):
            buf = mc % _NBUF
            wait_g(mc, buf)
            w_desc(mc, buf).start()
            w_desc(mc - 2, (mc - 2) % _NBUF).wait()
        w_desc(nm - 2, (nm - 2) % _NBUF).wait()
        w_desc(nm - 1, (nm - 1) % _NBUF).wait()

    return k


def kernel(codes, tables):
    b, l, q = codes.shape
    _, v, d = tables.shape
    n = b * l * q
    adj = codes + jnp.arange(q, dtype=codes.dtype) * v
    idx = adj.reshape(n // _C, _C)
    out = _build(n)(idx, tables.reshape(q * v, d))
    return out.reshape(b, l, q * d)

# --- scband reference (transcript-rebuilt; emitter-appended) ---
"""Pipeline reference for scband-quantizer-embedding-11166914969846 (READ-ONLY COPY).

The authoritative reference and input builder live on the scoring server;
editing this copy changes nothing except your own understanding.
"""

import jax, jax.numpy as jnp
import numpy as np

NUM_LEVELS = 8
VOCAB = 1024
EMBED_DIM = 64
B, L = 16, 2048


def setup_inputs(seed: int = 0) -> dict:
    key = jax.random.key(seed)
    k1, k2 = jax.random.split(key)
    codes = jax.random.randint(k1, (B, L, NUM_LEVELS), 0, VOCAB, dtype=jnp.int32)
    # one embedding table per quantizer level; all same vocab/dim so stack into [Q, V, D]
    tables = jax.random.normal(k2, (NUM_LEVELS, VOCAB, EMBED_DIM), dtype=jnp.float32) * 0.02
    return {"codes": codes, "tables": tables}


def reference(codes, tables):
    # Faithful translation of QuantizerEmbedding.forward for (B, L, Q) codes.
    squeezed_channel = False
    if codes.ndim == 3:
        codes = codes[:, :, None, :]  # (B, T, 1, Q)
        squeezed_channel = True
    assert codes.ndim == 4
    assert codes.shape[-1] == tables.shape[0]
    embeds = [jnp.take(tables[i], codes[..., i], axis=0) for i in range(tables.shape[0])]
    concat = jnp.concatenate(embeds, axis=-1)
    if squeezed_channel:
        concat = jnp.squeeze(concat, axis=2)
    return concat

if __name__ == "__main__":
    import jax
    _d = setup_inputs()
    print(jax.jit(kernel)(*tuple(_d.values())))

</pallas_src>

<mosaic_0001>
#map = affine_map<(d0, d1) -> (0, 0)>
module attributes {stable_mosaic.version = 14 : i64} {
  func.func @k(%arg0: i32, %arg1: i32, %arg2: memref<2048x128xi32, #tpu.memory_space<hbm>>, %arg3: memref<8192x64xf32, #tpu.memory_space<hbm>>, %arg4: memref<262144x64xf32, #tpu.memory_space<hbm>>, %arg5: memref<64x128xi32, #tpu.memory_space<vmem>>, %arg6: memref<4x256x64xf32, #tpu.memory_space<vmem>>, %arg7: memref<!tpu.dma_semaphore, #tpu.memory_space<semaphore_mem>>, %arg8: memref<!tpu.dma_semaphore, #tpu.memory_space<semaphore_mem>>, %arg9: memref<!tpu.dma_semaphore, #tpu.memory_space<semaphore_mem>>, %arg10: memref<!tpu.dma_semaphore, #tpu.memory_space<semaphore_mem>>, %arg11: memref<!tpu.dma_semaphore, #tpu.memory_space<semaphore_mem>>, %arg12: memref<!tpu.dma_semaphore, #tpu.memory_space<semaphore_mem>>, %arg13: memref<!tpu.dma_semaphore, #tpu.memory_space<semaphore_mem>>, %arg14: memref<!tpu.dma_semaphore, #tpu.memory_space<semaphore_mem>>) attributes {dimension_semantics = [#tpu.dimension_semantics<core_parallel>, #tpu.dimension_semantics<subcore_parallel>], iteration_bounds = array<i64: 2, 16>, scalar_prefetch = 0 : i64, scratch_operands = 10 : i64, tpu.core_type = #tpu.core_type<sc_vector_subcore>, window_params = [{transform_indices = #map}, {transform_indices = #map}, {transform_indices = #map}]} {
    %mul3A = arith.constant 2 : i32
    %mul3A_0 = arith.muli %arg1, %mul3A : i32
    %add3A = arith.addi %mul3A_0, %arg0 : i32
    %mul3A_1 = arith.constant 8192 : i32
    %mul3A_2 = arith.muli %add3A, %mul3A_1 : i32
    %mul3A_3 = arith.constant 64 : i32
    %mul3A_4 = arith.muli %add3A, %mul3A_3 : i32
    "tpu.region"() ({
      %run_scoped3A = tpu.sem_alloc : memref<!tpu.dma_semaphore, #tpu.memory_space<semaphore_mem>>
      %dma_start3A_320 = arith.constant 0 : i32
      %dma_start3A_321 = tpu.memref_slice %arg2[%mul3A_4, %dma_start3A_320] : memref<2048x128xi32, #tpu.memory_space<hbm>> -> memref<64x128xi32, #tpu.memory_space<hbm>>
      %dma_start3A_322 = arith.constant 0 : i32
      %dma_start3A_323 = tpu.memref_slice %arg2[%mul3A_4, %dma_start3A_322] : memref<2048x128xi32, #tpu.memory_space<hbm>> -> memref<64x128xi32, #tpu.memory_space<hbm>>
      tpu.enqueue_dma source(%dma_start3A_323 : memref<64x128xi32, #tpu.memory_space<hbm>>) target(%arg5 : memref<64x128xi32, #tpu.memory_space<vmem>>) target_semaphore(%run_scoped3A : memref<!tpu.dma_semaphore, #tpu.memory_space<semaphore_mem>>)
      %dma_wait3A_324 = arith.constant 0 : i32
      %dma_wait3A_325 = tpu.memref_slice %arg2[%mul3A_4, %dma_wait3A_324] : memref<2048x128xi32, #tpu.memory_space<hbm>> -> memref<64x128xi32, #tpu.memory_space<hbm>>
      %dma_wait3A_326 = arith.constant 0 : i32
      %dma_wait3A_327 = tpu.memref_slice %arg2[%mul3A_4, %dma_wait3A_326] : memref<2048x128xi32, #tpu.memory_space<hbm>> -> memref<64x128xi32, #tpu.memory_space<hbm>>
      tpu.wait_dma2 semaphore(%run_scoped3A : memref<!tpu.dma_semaphore, #tpu.memory_space<semaphore_mem>>) src(%dma_wait3A_327 : memref<64x128xi32, #tpu.memory_space<hbm>>) dst(%arg5 : memref<64x128xi32, #tpu.memory_space<vmem>>)
      tpu.yield
    }) : () -> ()
    %dma_start3A = arith.constant 0 : i32
    %dma_start3A_5 = arith.constant 0 : i32
    %dma_start3A_6 = arith.constant 0 : i32
    %dma_start3A_7 = arith.constant 0 : i32
    %dma_start3A_8 = tpu.memref_slice %arg6[%dma_start3A_5, %dma_start3A_6, %dma_start3A_7] : memref<4x256x64xf32, #tpu.memory_space<vmem>> -> memref<1x128x64xf32, #tpu.memory_space<vmem>>
    %dma_start3A_9 = tpu.memref_squeeze %dma_start3A_8 : memref<1x128x64xf32, #tpu.memory_space<vmem>> -> memref<128x64xf32, #tpu.memory_space<vmem>>
    %dma_start3A_10 = arith.constant 0 : i32
    %dma_start3A_11 = tpu.memref_slice %arg5[%dma_start3A, %dma_start3A_10] : memref<64x128xi32, #tpu.memory_space<vmem>> -> memref<1x128xi32, #tpu.memory_space<vmem>>
    %dma_start3A_12 = tpu.memref_squeeze %dma_start3A_11 : memref<1x128xi32, #tpu.memory_space<vmem>> -> memref<128xi32, #tpu.memory_space<vmem>>
    %dma_start3A_13 = arith.constant 0 : i32
    %dma_start3A_14 = arith.constant 0 : i32
    %dma_start3A_15 = tpu.memref_slice %arg3[%dma_start3A_13, %dma_start3A_14] : memref<8192x64xf32, #tpu.memory_space<hbm>> -> memref<8192x64xf32, #tpu.memory_space<hbm>>
    tpu.enqueue_indirect_dma source(%dma_start3A_15 : memref<8192x64xf32, #tpu.memory_space<hbm>>) target(%dma_start3A_9 : memref<128x64xf32, #tpu.memory_space<vmem>>) offsets(%dma_start3A_12 : memref<128xi32, #tpu.memory_space<vmem>>) semaphore(%arg7 : memref<!tpu.dma_semaphore, #tpu.memory_space<semaphore_mem>>)
    %dma_start3A_16 = arith.constant 1 : i32
    %dma_start3A_17 = arith.constant 0 : i32
    %dma_start3A_18 = arith.constant 128 : i32
    %dma_start3A_19 = arith.constant 0 : i32
    %dma_start3A_20 = tpu.memref_slice %arg6[%dma_start3A_17, %dma_start3A_18, %dma_start3A_19] : memref<4x256x64xf32, #tpu.memory_space<vmem>> -> memref<1x128x64xf32, #tpu.memory_space<vmem>>
    %dma_start3A_21 = tpu.memref_squeeze %dma_start3A_20 : memref<1x128x64xf32, #tpu.memory_space<vmem>> -> memref<128x64xf32, #tpu.memory_space<vmem>>
    %dma_start3A_22 = arith.constant 0 : i32
    %dma_start3A_23 = tpu.memref_slice %arg5[%dma_start3A_16, %dma_start3A_22] : memref<64x128xi32, #tpu.memory_space<vmem>> -> memref<1x128xi32, #tpu.memory_space<vmem>>
    %dma_start3A_24 = tpu.memref_squeeze %dma_start3A_23 : memref<1x128xi32, #tpu.memory_space<vmem>> -> memref<128xi32, #tpu.memory_space<vmem>>
    %dma_start3A_25 = arith.constant 0 : i32
    %dma_start3A_26 = arith.constant 0 : i32
    %dma_start3A_27 = tpu.memref_slice %arg3[%dma_start3A_25, %dma_start3A_26] : memref<8192x64xf32, #tpu.memory_space<hbm>> -> memref<8192x64xf32, #tpu.memory_space<hbm>>
    tpu.enqueue_indirect_dma source(%dma_start3A_27 : memref<8192x64xf32, #tpu.memory_space<hbm>>) target(%dma_start3A_21 : memref<128x64xf32, #tpu.memory_space<vmem>>) offsets(%dma_start3A_24 : memref<128xi32, #tpu.memory_space<vmem>>) semaphore(%arg7 : memref<!tpu.dma_semaphore, #tpu.memory_space<semaphore_mem>>)
    %dma_start3A_28 = arith.constant 2 : i32
    %dma_start3A_29 = arith.constant 1 : i32
    %dma_start3A_30 = arith.constant 0 : i32
    %dma_start3A_31 = arith.constant 0 : i32
    %dma_start3A_32 = tpu.memref_slice %arg6[%dma_start3A_29, %dma_start3A_30, %dma_start3A_31] : memref<4x256x64xf32, #tpu.memory_space<vmem>> -> memref<1x128x64xf32, #tpu.memory_space<vmem>>
    %dma_start3A_33 = tpu.memref_squeeze %dma_start3A_32 : memref<1x128x64xf32, #tpu.memory_space<vmem>> -> memref<128x64xf32, #tpu.memory_space<vmem>>
    %dma_start3A_34 = arith.constant 0 : i32
    %dma_start3A_35 = tpu.memref_slice %arg5[%dma_start3A_28, %dma_start3A_34] : memref<64x128xi32, #tpu.memory_space<vmem>> -> memref<1x128xi32, #tpu.memory_space<vmem>>
    %dma_start3A_36 = tpu.memref_squeeze %dma_start3A_35 : memref<1x128xi32, #tpu.memory_space<vmem>> -> memref<128xi32, #tpu.memory_space<vmem>>
    %dma_start3A_37 = arith.constant 0 : i32
    %dma_start3A_38 = arith.constant 0 : i32
    %dma_start3A_39 = tpu.memref_slice %arg3[%dma_start3A_37, %dma_start3A_38] : memref<8192x64xf32, #tpu.memory_space<hbm>> -> memref<8192x64xf32, #tpu.memory_space<hbm>>
    tpu.enqueue_indirect_dma source(%dma_start3A_39 : memref<8192x64xf32, #tpu.memory_space<hbm>>) target(%dma_start3A_33 : memref<128x64xf32, #tpu.memory_space<vmem>>) offsets(%dma_start3A_36 : memref<128xi32, #tpu.memory_space<vmem>>) semaphore(%arg8 : memref<!tpu.dma_semaphore, #tpu.memory_space<semaphore_mem>>)
    %dma_start3A_40 = arith.constant 3 : i32
    %dma_start3A_41 = arith.constant 1 : i32
    %dma_start3A_42 = arith.constant 128 : i32
    %dma_start3A_43 = arith.constant 0 : i32
    %dma_start3A_44 = tpu.memref_slice %arg6[%dma_start3A_41, %dma_start3A_42, %dma_start3A_43] : memref<4x256x64xf32, #tpu.memory_space<vmem>> -> memref<1x128x64xf32, #tpu.memory_space<vmem>>
    %dma_start3A_45 = tpu.memref_squeeze %dma_start3A_44 : memref<1x128x64xf32, #tpu.memory_space<vmem>> -> memref<128x64xf32, #tpu.memory_space<vmem>>
    %dma_start3A_46 = arith.constant 0 : i32
    %dma_start3A_47 = tpu.memref_slice %arg5[%dma_start3A_40, %dma_start3A_46] : memref<64x128xi32, #tpu.memory_space<vmem>> -> memref<1x128xi32, #tpu.memory_space<vmem>>
    %dma_start3A_48 = tpu.memref_squeeze %dma_start3A_47 : memref<1x128xi32, #tpu.memory_space<vmem>> -> memref<128xi32, #tpu.memory_space<vmem>>
    %dma_start3A_49 = arith.constant 0 : i32
    %dma_start3A_50 = arith.constant 0 : i32
    %dma_start3A_51 = tpu.memref_slice %arg3[%dma_start3A_49, %dma_start3A_50] : memref<8192x64xf32, #tpu.memory_space<hbm>> -> memref<8192x64xf32, #tpu.memory_space<hbm>>
    tpu.enqueue_indirect_dma source(%dma_start3A_51 : memref<8192x64xf32, #tpu.memory_space<hbm>>) target(%dma_start3A_45 : memref<128x64xf32, #tpu.memory_space<vmem>>) offsets(%dma_start3A_48 : memref<128xi32, #tpu.memory_space<vmem>>) semaphore(%arg8 : memref<!tpu.dma_semaphore, #tpu.memory_space<semaphore_mem>>)
    %dma_start3A_52 = arith.constant 4 : i32
    %dma_start3A_53 = arith.constant 2 : i32
    %dma_start3A_54 = arith.constant 0 : i32
    %dma_start3A_55 = arith.constant 0 : i32
    %dma_start3A_56 = tpu.memref_slice %arg6[%dma_start3A_53, %dma_start3A_54, %dma_start3A_55] : memref<4x256x64xf32, #tpu.memory_space<vmem>> -> memref<1x128x64xf32, #tpu.memory_space<vmem>>
    %dma_start3A_57 = tpu.memref_squeeze %dma_start3A_56 : memref<1x128x64xf32, #tpu.memory_space<vmem>> -> memref<128x64xf32, #tpu.memory_space<vmem>>
    %dma_start3A_58 = arith.constant 0 : i32
    %dma_start3A_59 = tpu.memref_slice %arg5[%dma_start3A_52, %dma_start3A_58] : memref<64x128xi32, #tpu.memory_space<vmem>> -> memref<1x128xi32, #tpu.memory_space<vmem>>
    %dma_start3A_60 = tpu.memref_squeeze %dma_start3A_59 : memref<1x128xi32, #tpu.memory_space<vmem>> -> memref<128xi32, #tpu.memory_space<vmem>>
    %dma_start3A_61 = arith.constant 0 : i32
    %dma_start3A_62 = arith.constant 0 : i32
    %dma_start3A_63 = tpu.memref_slice %arg3[%dma_start3A_61, %dma_start3A_62] : memref<8192x64xf32, #tpu.memory_space<hbm>> -> memref<8192x64xf32, #tpu.memory_space<hbm>>
    tpu.enqueue_indirect_dma source(%dma_start3A_63 : memref<8192x64xf32, #tpu.memory_space<hbm>>) target(%dma_start3A_57 : memref<128x64xf32, #tpu.memory_space<vmem>>) offsets(%dma_start3A_60 : memref<128xi32, #tpu.memory_space<vmem>>) semaphore(%arg9 : memref<!tpu.dma_semaphore, #tpu.memory_space<semaphore_mem>>)
    %dma_start3A_64 = arith.constant 5 : i32
    %dma_start3A_65 = arith.constant 2 : i32
    %dma_start3A_66 = arith.constant 128 : i32
    %dma_start3A_67 = arith.constant 0 : i32
    %dma_start3A_68 = tpu.memref_slice %arg6[%dma_start3A_65, %dma_start3A_66, %dma_start3A_67] : memref<4x256x64xf32, #tpu.memory_space<vmem>> -> memref<1x128x64xf32, #tpu.memory_space<vmem>>
    %dma_start3A_69 = tpu.memref_squeeze %dma_start3A_68 : memref<1x128x64xf32, #tpu.memory_space<vmem>> -> memref<128x64xf32, #tpu.memory_space<vmem>>
    %dma_start3A_70 = arith.constant 0 : i32
    %dma_start3A_71 = tpu.memref_slice %arg5[%dma_start3A_64, %dma_start3A_70] : memref<64x128xi32, #tpu.memory_space<vmem>> -> memref<1x128xi32, #tpu.memory_space<vmem>>
    %dma_start3A_72 = tpu.memref_squeeze %dma_start3A_71 : memref<1x128xi32, #tpu.memory_space<vmem>> -> memref<128xi32, #tpu.memory_space<vmem>>
    %dma_start3A_73 = arith.constant 0 : i32
    %dma_start3A_74 = arith.constant 0 : i32
    %dma_start3A_75 = tpu.memref_slice %arg3[%dma_start3A_73, %dma_start3A_74] : memref<8192x64xf32, #tpu.memory_space<hbm>> -> memref<8192x64xf32, #tpu.memory_space<hbm>>
    tpu.enqueue_indirect_dma source(%dma_start3A_75 : memref<8192x64xf32, #tpu.memory_space<hbm>>) target(%dma_start3A_69 : memref<128x64xf32, #tpu.memory_space<vmem>>) offsets(%dma_start3A_72 : memref<128xi32, #tpu.memory_space<vmem>>) semaphore(%arg9 : memref<!tpu.dma_semaphore, #tpu.memory_space<semaphore_mem>>)
    %dma_start3A_76 = arith.constant 6 : i32
    %dma_start3A_77 = arith.constant 3 : i32
    %dma_start3A_78 = arith.constant 0 : i32
    %dma_start3A_79 = arith.constant 0 : i32
    %dma_start3A_80 = tpu.memref_slice %arg6[%dma_start3A_77, %dma_start3A_78, %dma_start3A_79] : memref<4x256x64xf32, #tpu.memory_space<vmem>> -> memref<1x128x64xf32, #tpu.memory_space<vmem>>
    %dma_start3A_81 = tpu.memref_squeeze %dma_start3A_80 : memref<1x128x64xf32, #tpu.memory_space<vmem>> -> memref<128x64xf32, #tpu.memory_space<vmem>>
    %dma_start3A_82 = arith.constant 0 : i32
    %dma_start3A_83 = tpu.memref_slice %arg5[%dma_start3A_76, %dma_start3A_82] : memref<64x128xi32, #tpu.memory_space<vmem>> -> memref<1x128xi32, #tpu.memory_space<vmem>>
    %dma_start3A_84 = tpu.memref_squeeze %dma_start3A_83 : memref<1x128xi32, #tpu.memory_space<vmem>> -> memref<128xi32, #tpu.memory_space<vmem>>
    %dma_start3A_85 = arith.constant 0 : i32
    %dma_start3A_86 = arith.constant 0 : i32
    %dma_start3A_87 = tpu.memref_slice %arg3[%dma_start3A_85, %dma_start3A_86] : memref<8192x64xf32, #tpu.memory_space<hbm>> -> memref<8192x64xf32, #tpu.memory_space<hbm>>
    tpu.enqueue_indirect_dma source(%dma_start3A_87 : memref<8192x64xf32, #tpu.memory_space<hbm>>) target(%dma_start3A_81 : memref<128x64xf32, #tpu.memory_space<vmem>>) offsets(%dma_start3A_84 : memref<128xi32, #tpu.memory_space<vmem>>) semaphore(%arg10 : memref<!tpu.dma_semaphore, #tpu.memory_space<semaphore_mem>>)
    %dma_start3A_88 = arith.constant 7 : i32
    %dma_start3A_89 = arith.constant 3 : i32
    %dma_start3A_90 = arith.constant 128 : i32
    %dma_start3A_91 = arith.constant 0 : i32
    %dma_start3A_92 = tpu.memref_slice %arg6[%dma_start3A_89, %dma_start3A_90, %dma_start3A_91] : memref<4x256x64xf32, #tpu.memory_space<vmem>> -> memref<1x128x64xf32, #tpu.memory_space<vmem>>
    %dma_start3A_93 = tpu.memref_squeeze %dma_start3A_92 : memref<1x128x64xf32, #tpu.memory_space<vmem>> -> memref<128x64xf32, #tpu.memory_space<vmem>>
    %dma_start3A_94 = arith.constant 0 : i32
    %dma_start3A_95 = tpu.memref_slice %arg5[%dma_start3A_88, %dma_start3A_94] : memref<64x128xi32, #tpu.memory_space<vmem>> -> memref<1x128xi32, #tpu.memory_space<vmem>>
    %dma_start3A_96 = tpu.memref_squeeze %dma_start3A_95 : memref<1x128xi32, #tpu.memory_space<vmem>> -> memref<128xi32, #tpu.memory_space<vmem>>
    %dma_start3A_97 = arith.constant 0 : i32
    %dma_start3A_98 = arith.constant 0 : i32
    %dma_start3A_99 = tpu.memref_slice %arg3[%dma_start3A_97, %dma_start3A_98] : memref<8192x64xf32, #tpu.memory_space<hbm>> -> memref<8192x64xf32, #tpu.memory_space<hbm>>
    tpu.enqueue_indirect_dma source(%dma_start3A_99 : memref<8192x64xf32, #tpu.memory_space<hbm>>) target(%dma_start3A_93 : memref<128x64xf32, #tpu.memory_space<vmem>>) offsets(%dma_start3A_96 : memref<128xi32, #tpu.memory_space<vmem>>) semaphore(%arg10 : memref<!tpu.dma_semaphore, #tpu.memory_space<semaphore_mem>>)
    %dma_wait3A = arith.constant 0 : i32
    %dma_wait3A_100 = arith.constant 0 : i32
    %dma_wait3A_101 = arith.constant 0 : i32
    %dma_wait3A_102 = arith.constant 0 : i32
    %dma_wait3A_103 = tpu.memref_slice %arg6[%dma_wait3A_100, %dma_wait3A_101, %dma_wait3A_102] : memref<4x256x64xf32, #tpu.memory_space<vmem>> -> memref<1x128x64xf32, #tpu.memory_space<vmem>>
    %dma_wait3A_104 = tpu.memref_squeeze %dma_wait3A_103 : memref<1x128x64xf32, #tpu.memory_space<vmem>> -> memref<128x64xf32, #tpu.memory_space<vmem>>
    %dma_wait3A_105 = arith.constant 0 : i32
    %dma_wait3A_106 = tpu.memref_slice %arg5[%dma_wait3A, %dma_wait3A_105] : memref<64x128xi32, #tpu.memory_space<vmem>> -> memref<1x128xi32, #tpu.memory_space<vmem>>
    %dma_wait3A_107 = tpu.memref_squeeze %dma_wait3A_106 : memref<1x128xi32, #tpu.memory_space<vmem>> -> memref<128xi32, #tpu.memory_space<vmem>>
    %dma_wait3A_108 = arith.constant 0 : i32
    %dma_wait3A_109 = arith.constant 0 : i32
    %dma_wait3A_110 = tpu.memref_slice %arg3[%dma_wait3A_108, %dma_wait3A_109] : memref<8192x64xf32, #tpu.memory_space<hbm>> -> memref<8192x64xf32, #tpu.memory_space<hbm>>
    tpu.wait_indirect_dma semaphore(%arg7 : memref<!tpu.dma_semaphore, #tpu.memory_space<semaphore_mem>>) src(%dma_wait3A_110 : memref<8192x64xf32, #tpu.memory_space<hbm>>) dst(%dma_wait3A_104 : memref<128x64xf32, #tpu.memory_space<vmem>>)
    %dma_wait3A_111 = arith.constant 1 : i32
    %dma_wait3A_112 = arith.constant 0 : i32
    %dma_wait3A_113 = arith.constant 128 : i32
    %dma_wait3A_114 = arith.constant 0 : i32
    %dma_wait3A_115 = tpu.memref_slice %arg6[%dma_wait3A_112, %dma_wait3A_113, %dma_wait3A_114] : memref<4x256x64xf32, #tpu.memory_space<vmem>> -> memref<1x128x64xf32, #tpu.memory_space<vmem>>
    %dma_wait3A_116 = tpu.memref_squeeze %dma_wait3A_115 : memref<1x128x64xf32, #tpu.memory_space<vmem>> -> memref<128x64xf32, #tpu.memory_space<vmem>>
    %dma_wait3A_117 = arith.constant 0 : i32
    %dma_wait3A_118 = tpu.memref_slice %arg5[%dma_wait3A_111, %dma_wait3A_117] : memref<64x128xi32, #tpu.memory_space<vmem>> -> memref<1x128xi32, #tpu.memory_space<vmem>>
    %dma_wait3A_119 = tpu.memref_squeeze %dma_wait3A_118 : memref<1x128xi32, #tpu.memory_space<vmem>> -> memref<128xi32, #tpu.memory_space<vmem>>
    %dma_wait3A_120 = arith.constant 0 : i32
    %dma_wait3A_121 = arith.constant 0 : i32
    %dma_wait3A_122 = tpu.memref_slice %arg3[%dma_wait3A_120, %dma_wait3A_121] : memref<8192x64xf32, #tpu.memory_space<hbm>> -> memref<8192x64xf32, #tpu.memory_space<hbm>>
    tpu.wait_indirect_dma semaphore(%arg7 : memref<!tpu.dma_semaphore, #tpu.memory_space<semaphore_mem>>) src(%dma_wait3A_122 : memref<8192x64xf32, #tpu.memory_space<hbm>>) dst(%dma_wait3A_116 : memref<128x64xf32, #tpu.memory_space<vmem>>)
    %add3A_123 = arith.constant 0 : i32
    %add3A_124 = arith.addi %mul3A_2, %add3A_123 : i32
    %dma_start3A_125 = arith.constant 0 : i32
    %dma_start3A_126 = arith.constant 0 : i32
    %dma_start3A_127 = arith.constant 0 : i32
    %dma_start3A_128 = tpu.memref_slice %arg6[%dma_start3A_125, %dma_start3A_126, %dma_start3A_127] : memref<4x256x64xf32, #tpu.memory_space<vmem>> -> memref<1x256x64xf32, #tpu.memory_space<vmem>>
    %dma_start3A_129 = tpu.memref_squeeze %dma_start3A_128 : memref<1x256x64xf32, #tpu.memory_space<vmem>> -> memref<256x64xf32, #tpu.memory_space<vmem>>
    %dma_start3A_130 = arith.constant 0 : i32
    %dma_start3A_131 = tpu.memref_slice %arg4[%add3A_124, %dma_start3A_130] : memref<262144x64xf32, #tpu.memory_space<hbm>> -> memref<256x64xf32, #tpu.memory_space<hbm>>
    %dma_start3A_132 = arith.constant 0 : i32
    %dma_start3A_133 = tpu.memref_slice %arg4[%add3A_124, %dma_start3A_132] : memref<262144x64xf32, #tpu.memory_space<hbm>> -> memref<256x64xf32, #tpu.memory_space<hbm>>
    %dma_start3A_134 = arith.constant 0 : i32
    %dma_start3A_135 = arith.constant 0 : i32
    %dma_start3A_136 = tpu.memref_slice %arg6[%dma_start3A_125, %dma_start3A_134, %dma_start3A_135] : memref<4x256x64xf32, #tpu.memory_space<vmem>> -> memref<1x256x64xf32, #tpu.memory_space<vmem>>
    %dma_start3A_137 = tpu.memref_squeeze %dma_start3A_136 : memref<1x256x64xf32, #tpu.memory_space<vmem>> -> memref<256x64xf32, #tpu.memory_space<vmem>>
    tpu.enqueue_dma source(%dma_start3A_137 : memref<256x64xf32, #tpu.memory_space<vmem>>) target(%dma_start3A_133 : memref<256x64xf32, #tpu.memory_space<hbm>>) target_semaphore(%arg11 : memref<!tpu.dma_semaphore, #tpu.memory_space<semaphore_mem>>)
    %dma_wait3A_138 = arith.constant 2 : i32
    %dma_wait3A_139 = arith.constant 1 : i32
    %dma_wait3A_140 = arith.constant 0 : i32
    %dma_wait3A_141 = arith.constant 0 : i32
    %dma_wait3A_142 = tpu.memref_slice %arg6[%dma_wait3A_139, %dma_wait3A_140, %dma_wait3A_141] : memref<4x256x64xf32, #tpu.memory_space<vmem>> -> memref<1x128x64xf32, #tpu.memory_space<vmem>>
    %dma_wait3A_143 = tpu.memref_squeeze %dma_wait3A_142 : memref<1x128x64xf32, #tpu.memory_space<vmem>> -> memref<128x64xf32, #tpu.memory_space<vmem>>
    %dma_wait3A_144 = arith.constant 0 : i32
    %dma_wait3A_145 = tpu.memref_slice %arg5[%dma_wait3A_138, %dma_wait3A_144] : memref<64x128xi32, #tpu.memory_space<vmem>> -> memref<1x128xi32, #tpu.memory_space<vmem>>
    %dma_wait3A_146 = tpu.memref_squeeze %dma_wait3A_145 : memref<1x128xi32, #tpu.memory_space<vmem>> -> memref<128xi32, #tpu.memory_space<vmem>>
    %dma_wait3A_147 = arith.constant 0 : i32
    %dma_wait3A_148 = arith.constant 0 : i32
    %dma_wait3A_149 = tpu.memref_slice %arg3[%dma_wait3A_147, %dma_wait3A_148] : memref<8192x64xf32, #tpu.memory_space<hbm>> -> memref<8192x64xf32, #tpu.memory_space<hbm>>
    tpu.wait_indirect_dma semaphore(%arg8 : memref<!tpu.dma_semaphore, #tpu.memory_space<semaphore_mem>>) src(%dma_wait3A_149 : memref<8192x64xf32, #tpu.memory_space<hbm>>) dst(%dma_wait3A_143 : memref<128x64xf32, #tpu.memory_space<vmem>>)
    %dma_wait3A_150 = arith.constant 3 : i32
    %dma_wait3A_151 = arith.constant 1 : i32
    %dma_wait3A_152 = arith.constant 128 : i32
    %dma_wait3A_153 = arith.constant 0 : i32
    %dma_wait3A_154 = tpu.memref_slice %arg6[%dma_wait3A_151, %dma_wait3A_152, %dma_wait3A_153] : memref<4x256x64xf32, #tpu.memory_space<vmem>> -> memref<1x128x64xf32, #tpu.memory_space<vmem>>
    %dma_wait3A_155 = tpu.memref_squeeze %dma_wait3A_154 : memref<1x128x64xf32, #tpu.memory_space<vmem>> -> memref<128x64xf32, #tpu.memory_space<vmem>>
    %dma_wait3A_156 = arith.constant 0 : i32
    %dma_wait3A_157 = tpu.memref_slice %arg5[%dma_wait3A_150, %dma_wait3A_156] : memref<64x128xi32, #tpu.memory_space<vmem>> -> memref<1x128xi32, #tpu.memory_space<vmem>>
    %dma_wait3A_158 = tpu.memref_squeeze %dma_wait3A_157 : memref<1x128xi32, #tpu.memory_space<vmem>> -> memref<128xi32, #tpu.memory_space<vmem>>
    %dma_wait3A_159 = arith.constant 0 : i32
    %dma_wait3A_160 = arith.constant 0 : i32
    %dma_wait3A_161 = tpu.memref_slice %arg3[%dma_wait3A_159, %dma_wait3A_160] : memref<8192x64xf32, #tpu.memory_space<hbm>> -> memref<8192x64xf32, #tpu.memory_space<hbm>>
    tpu.wait_indirect_dma semaphore(%arg8 : memref<!tpu.dma_semaphore, #tpu.memory_space<semaphore_mem>>) src(%dma_wait3A_161 : memref<8192x64xf32, #tpu.memory_space<hbm>>) dst(%dma_wait3A_155 : memref<128x64xf32, #tpu.memory_space<vmem>>)
    %add3A_162 = arith.constant 256 : i32
    %add3A_163 = arith.addi %mul3A_2, %add3A_162 : i32
    %dma_start3A_164 = arith.constant 1 : i32
    %dma_start3A_165 = arith.constant 0 : i32
    %dma_start3A_166 = arith.constant 0 : i32
    %dma_start3A_167 = tpu.memref_slice %arg6[%dma_start3A_164, %dma_start3A_165, %dma_start3A_166] : memref<4x256x64xf32, #tpu.memory_space<vmem>> -> memref<1x256x64xf32, #tpu.memory_space<vmem>>
    %dma_start3A_168 = tpu.memref_squeeze %dma_start3A_167 : memref<1x256x64xf32, #tpu.memory_space<vmem>> -> memref<256x64xf32, #tpu.memory_space<vmem>>
    %dma_start3A_169 = arith.constant 0 : i32
    %dma_start3A_170 = tpu.memref_slice %arg4[%add3A_163, %dma_start3A_169] : memref<262144x64xf32, #tpu.memory_space<hbm>> -> memref<256x64xf32, #tpu.memory_space<hbm>>
    %dma_start3A_171 = arith.constant 0 : i32
    %dma_start3A_172 = tpu.memref_slice %arg4[%add3A_163, %dma_start3A_171] : memref<262144x64xf32, #tpu.memory_space<hbm>> -> memref<256x64xf32, #tpu.memory_space<hbm>>
    %dma_start3A_173 = arith.constant 0 : i32
    %dma_start3A_174 = arith.constant 0 : i32
    %dma_start3A_175 = tpu.memref_slice %arg6[%dma_start3A_164, %dma_start3A_173, %dma_start3A_174] : memref<4x256x64xf32, #tpu.memory_space<vmem>> -> memref<1x256x64xf32, #tpu.memory_space<vmem>>
    %dma_start3A_176 = tpu.memref_squeeze %dma_start3A_175 : memref<1x256x64xf32, #tpu.memory_space<vmem>> -> memref<256x64xf32, #tpu.memory_space<vmem>>
    tpu.enqueue_dma source(%dma_start3A_176 : memref<256x64xf32, #tpu.memory_space<vmem>>) target(%dma_start3A_172 : memref<256x64xf32, #tpu.memory_space<hbm>>) target_semaphore(%arg12 : memref<!tpu.dma_semaphore, #tpu.memory_space<semaphore_mem>>)
    %scan3A = arith.constant 0 : i32
    %scan3A_177 = arith.constant 0 : i32
    %scan3A_178 = arith.constant 7 : i32
    %scan3A_179 = arith.addi %scan3A_177, %scan3A_178 : i32
    %scan3A_180 = arith.constant 1 : i32
    scf.for %scan3A_320 = %scan3A_177 to %scan3A_179 step %scan3A_180  : i32 {
      %mul3A_321 = arith.constant 4 : i32
      %mul3A_322 = arith.muli %scan3A_320, %mul3A_321 : i32
      %add3A_323 = arith.constant 2 : i32
      %add3A_324 = arith.addi %add3A_323, %mul3A_322 : i32
      %add3A_325 = arith.constant 0 : i32
      %add3A_326 = arith.addi %add3A_324, %add3A_325 : i32
      %mul3A_327 = arith.constant 2 : i32
      %mul3A_328 = arith.muli %add3A_326, %mul3A_327 : i32
      %add3A_329 = arith.constant 0 : i32
      %add3A_330 = arith.addi %mul3A_328, %add3A_329 : i32
      %mul3A_331 = arith.constant 2 : i32
      %mul3A_332 = arith.muli %add3A_326, %mul3A_331 : i32
      %add3A_333 = arith.constant 1 : i32
      %add3A_334 = arith.addi %mul3A_332, %add3A_333 : i32
      %dma_wait3A_335 = arith.constant 2 : i32
      %dma_wait3A_336 = arith.constant 0 : i32
      %dma_wait3A_337 = arith.constant 0 : i32
      %dma_wait3A_338 = tpu.memref_slice %arg6[%dma_wait3A_335, %dma_wait3A_336, %dma_wait3A_337] : memref<4x256x64xf32, #tpu.memory_space<vmem>> -> memref<1x128x64xf32, #tpu.memory_space<vmem>>
      %dma_wait3A_339 = tpu.memref_squeeze %dma_wait3A_338 : memref<1x128x64xf32, #tpu.memory_space<vmem>> -> memref<128x64xf32, #tpu.memory_space<vmem>>
      %dma_wait3A_340 = arith.constant 0 : i32
      %dma_wait3A_341 = tpu.memref_slice %arg5[%add3A_330, %dma_wait3A_340] : memref<64x128xi32, #tpu.memory_space<vmem>> -> memref<1x128xi32, #tpu.memory_space<vmem>>
      %dma_wait3A_342 = tpu.memref_squeeze %dma_wait3A_341 : memref<1x128xi32, #tpu.memory_space<vmem>> -> memref<128xi32, #tpu.memory_space<vmem>>
      %dma_wait3A_343 = arith.constant 0 : i32
      %dma_wait3A_344 = arith.constant 0 : i32
      %dma_wait3A_345 = tpu.memref_slice %arg3[%dma_wait3A_343, %dma_wait3A_344] : memref<8192x64xf32, #tpu.memory_space<hbm>> -> memref<8192x64xf32, #tpu.memory_space<hbm>>
      tpu.wait_indirect_dma semaphore(%arg9 : memref<!tpu.dma_semaphore, #tpu.memory_space<semaphore_mem>>) src(%dma_wait3A_345 : memref<8192x64xf32, #tpu.memory_space<hbm>>) dst(%dma_wait3A_339 : memref<128x64xf32, #tpu.memory_space<vmem>>)
      %dma_wait3A_346 = arith.constant 2 : i32
      %dma_wait3A_347 = arith.constant 128 : i32
      %dma_wait3A_348 = arith.constant 0 : i32
      %dma_wait3A_349 = tpu.memref_slice %arg6[%dma_wait3A_346, %dma_wait3A_347, %dma_wait3A_348] : memref<4x256x64xf32, #tpu.memory_space<vmem>> -> memref<1x128x64xf32, #tpu.memory_space<vmem>>
      %dma_wait3A_350 = tpu.memref_squeeze %dma_wait3A_349 : memref<1x128x64xf32, #tpu.memory_space<vmem>> -> memref<128x64xf32, #tpu.memory_space<vmem>>
      %dma_wait3A_351 = arith.constant 0 : i32
      %dma_wait3A_352 = tpu.memref_slice %arg5[%add3A_334, %dma_wait3A_351] : memref<64x128xi32, #tpu.memory_space<vmem>> -> memref<1x128xi32, #tpu.memory_space<vmem>>
      %dma_wait3A_353 = tpu.memref_squeeze %dma_wait3A_352 : memref<1x128xi32, #tpu.memory_space<vmem>> -> memref<128xi32, #tpu.memory_space<vmem>>
      %dma_wait3A_354 = arith.constant 0 : i32
      %dma_wait3A_355 = arith.constant 0 : i32
      %dma_wait3A_356 = tpu.memref_slice %arg3[%dma_wait3A_354, %dma_wait3A_355] : memref<8192x64xf32, #tpu.memory_space<hbm>> -> memref<8192x64xf32, #tpu.memory_space<hbm>>
      tpu.wait_indirect_dma semaphore(%arg9 : memref<!tpu.dma_semaphore, #tpu.memory_space<semaphore_mem>>) src(%dma_wait3A_356 : memref<8192x64xf32, #tpu.memory_space<hbm>>) dst(%dma_wait3A_350 : memref<128x64xf32, #tpu.memory_space<vmem>>)
      %mul3A_357 = arith.constant 256 : i32
      %mul3A_358 = arith.muli %add3A_326, %mul3A_357 : i32
      %add3A_359 = arith.addi %mul3A_2, %mul3A_358 : i32
      %dma_start3A_360 = arith.constant 2 : i32
      %dma_start3A_361 = arith.constant 0 : i32
      %dma_start3A_362 = arith.constant 0 : i32
      %dma_start3A_363 = tpu.memref_slice %arg6[%dma_start3A_360, %dma_start3A_361, %dma_start3A_362] : memref<4x256x64xf32, #tpu.memory_space<vmem>> -> memref<1x256x64xf32, #tpu.memory_space<vmem>>
      %dma_start3A_364 = tpu.memref_squeeze %dma_start3A_363 : memref<1x256x64xf32, #tpu.memory_space<vmem>> -> memref<256x64xf32, #tpu.memory_space<vmem>>
      %dma_start3A_365 = arith.constant 0 : i32
      %dma_start3A_366 = tpu.memref_slice %arg4[%add3A_359, %dma_start3A_365] : memref<262144x64xf32, #tpu.memory_space<hbm>> -> memref<256x64xf32, #tpu.memory_space<hbm>>
      %dma_start3A_367 = arith.constant 0 : i32
      %dma_start3A_368 = tpu.memref_slice %arg4[%add3A_359, %dma_start3A_367] : memref<262144x64xf32, #tpu.memory_space<hbm>> -> memref<256x64xf32, #tpu.memory_space<hbm>>
      %dma_start3A_369 = arith.constant 0 : i32
      %dma_start3A_370 = arith.constant 0 : i32
      %dma_start3A_371 = tpu.memref_slice %arg6[%dma_start3A_360, %dma_start3A_369, %dma_start3A_370] : memref<4x256x64xf32, #tpu.memory_space<vmem>> -> memref<1x256x64xf32, #tpu.memory_space<vmem>>
      %dma_start3A_372 = tpu.memref_squeeze %dma_start3A_371 : memref<1x256x64xf32, #tpu.memory_space<vmem>> -> memref<256x64xf32, #tpu.memory_space<vmem>>
      tpu.enqueue_dma source(%dma_start3A_372 : memref<256x64xf32, #tpu.memory_space<vmem>>) target(%dma_start3A_368 : memref<256x64xf32, #tpu.memory_space<hbm>>) target_semaphore(%arg13 : memref<!tpu.dma_semaphore, #tpu.memory_space<semaphore_mem>>)
      %sub3A = arith.constant 2 : i32
      %sub3A_373 = arith.subi %add3A_326, %sub3A : i32
      %mul3A_374 = arith.constant 256 : i32
      %mul3A_375 = arith.muli %sub3A_373, %mul3A_374 : i32
      %add3A_376 = arith.addi %mul3A_2, %mul3A_375 : i32
      %dma_wait3A_377 = arith.constant 0 : i32
      %dma_wait3A_378 = arith.constant 0 : i32
      %dma_wait3A_379 = arith.constant 0 : i32
      %dma_wait3A_380 = tpu.memref_slice %arg6[%dma_wait3A_377, %dma_wait3A_378, %dma_wait3A_379] : memref<4x256x64xf32, #tpu.memory_space<vmem>> -> memref<1x256x64xf32, #tpu.memory_space<vmem>>
      %dma_wait3A_381 = tpu.memref_squeeze %dma_wait3A_380 : memref<1x256x64xf32, #tpu.memory_space<vmem>> -> memref<256x64xf32, #tpu.memory_space<vmem>>
      %dma_wait3A_382 = arith.constant 0 : i32
      %dma_wait3A_383 = tpu.memref_slice %arg4[%add3A_376, %dma_wait3A_382] : memref<262144x64xf32, #tpu.memory_space<hbm>> -> memref<256x64xf32, #tpu.memory_space<hbm>>
      %dma_wait3A_384 = arith.constant 0 : i32
      %dma_wait3A_385 = tpu.memref_slice %arg4[%add3A_376, %dma_wait3A_384] : memref<262144x64xf32, #tpu.memory_space<hbm>> -> memref<256x64xf32, #tpu.memory_space<hbm>>
      %dma_wait3A_386 = arith.constant 0 : i32
      %dma_wait3A_387 = arith.constant 0 : i32
      %dma_wait3A_388 = tpu.memref_slice %arg6[%dma_wait3A_377, %dma_wait3A_386, %dma_wait3A_387] : memref<4x256x64xf32, #tpu.memory_space<vmem>> -> memref<1x256x64xf32, #tpu.memory_space<vmem>>
      %dma_wait3A_389 = tpu.memref_squeeze %dma_wait3A_388 : memref<1x256x64xf32, #tpu.memory_space<vmem>> -> memref<256x64xf32, #tpu.memory_space<vmem>>
      tpu.wait_dma2 semaphore(%arg11 : memref<!tpu.dma_semaphore, #tpu.memory_space<semaphore_mem>>) src(%dma_wait3A_389 : memref<256x64xf32, #tpu.memory_space<vmem>>) dst(%dma_wait3A_385 : memref<256x64xf32, #tpu.memory_space<hbm>>)
      %add3A_390 = arith.constant 2 : i32
      %add3A_391 = arith.addi %add3A_326, %add3A_390 : i32
      %mul3A_392 = arith.constant 2 : i32
      %mul3A_393 = arith.muli %add3A_391, %mul3A_392 : i32
      %add3A_394 = arith.constant 0 : i32
      %add3A_395 = arith.addi %mul3A_393, %add3A_394 : i32
      %mul3A_396 = arith.constant 2 : i32
      %mul3A_397 = arith.muli %add3A_391, %mul3A_396 : i32
      %add3A_398 = arith.constant 1 : i32
      %add3A_399 = arith.addi %mul3A_397, %add3A_398 : i32
      %dma_start3A_400 = arith.constant 0 : i32
      %dma_start3A_401 = arith.constant 0 : i32
      %dma_start3A_402 = arith.constant 0 : i32
      %dma_start3A_403 = tpu.memref_slice %arg6[%dma_start3A_400, %dma_start3A_401, %dma_start3A_402] : memref<4x256x64xf32, #tpu.memory_space<vmem>> -> memref<1x128x64xf32, #tpu.memory_space<vmem>>
      %dma_start3A_404 = tpu.memref_squeeze %dma_start3A_403 : memref<1x128x64xf32, #tpu.memory_space<vmem>> -> memref<128x64xf32, #tpu.memory_space<vmem>>
      %dma_start3A_405 = arith.constant 0 : i32
      %dma_start3A_406 = tpu.memref_slice %arg5[%add3A_395, %dma_start3A_405] : memref<64x128xi32, #tpu.memory_space<vmem>> -> memref<1x128xi32, #tpu.memory_space<vmem>>
      %dma_start3A_407 = tpu.memref_squeeze %dma_start3A_406 : memref<1x128xi32, #tpu.memory_space<vmem>> -> memref<128xi32, #tpu.memory_space<vmem>>
      %dma_start3A_408 = arith.constant 0 : i32
      %dma_start3A_409 = arith.constant 0 : i32
      %dma_start3A_410 = tpu.memref_slice %arg3[%dma_start3A_408, %dma_start3A_409] : memref<8192x64xf32, #tpu.memory_space<hbm>> -> memref<8192x64xf32, #tpu.memory_space<hbm>>
      tpu.enqueue_indirect_dma source(%dma_start3A_410 : memref<8192x64xf32, #tpu.memory_space<hbm>>) target(%dma_start3A_404 : memref<128x64xf32, #tpu.memory_space<vmem>>) offsets(%dma_start3A_407 : memref<128xi32, #tpu.memory_space<vmem>>) semaphore(%arg7 : memref<!tpu.dma_semaphore, #tpu.memory_space<semaphore_mem>>)
      %dma_start3A_411 = arith.constant 0 : i32
      %dma_start3A_412 = arith.constant 128 : i32
      %dma_start3A_413 = arith.constant 0 : i32
      %dma_start3A_414 = tpu.memref_slice %arg6[%dma_start3A_411, %dma_start3A_412, %dma_start3A_413] : memref<4x256x64xf32, #tpu.memory_space<vmem>> -> memref<1x128x64xf32, #tpu.memory_space<vmem>>
      %dma_start3A_415 = tpu.memref_squeeze %dma_start3A_414 : memref<1x128x64xf32, #tpu.memory_space<vmem>> -> memref<128x64xf32, #tpu.memory_space<vmem>>
      %dma_start3A_416 = arith.constant 0 : i32
      %dma_start3A_417 = tpu.memref_slice %arg5[%add3A_399, %dma_start3A_416] : memref<64x128xi32, #tpu.memory_space<vmem>> -> memref<1x128xi32, #tpu.memory_space<vmem>>
      %dma_start3A_418 = tpu.memref_squeeze %dma_start3A_417 : memref<1x128xi32, #tpu.memory_space<vmem>> -> memref<128xi32, #tpu.memory_space<vmem>>
      %dma_start3A_419 = arith.constant 0 : i32
      %dma_start3A_420 = arith.constant 0 : i32
      %dma_start3A_421 = tpu.memref_slice %arg3[%dma_start3A_419, %dma_start3A_420] : memref<8192x64xf32, #tpu.memory_space<hbm>> -> memref<8192x64xf32, #tpu.memory_space<hbm>>
      tpu.enqueue_indirect_dma source(%dma_start3A_421 : memref<8192x64xf32, #tpu.memory_space<hbm>>) target(%dma_start3A_415 : memref<128x64xf32, #tpu.memory_space<vmem>>) offsets(%dma_start3A_418 : memref<128xi32, #tpu.memory_space<vmem>>) semaphore(%arg7 : memref<!tpu.dma_semaphore, #tpu.memory_space<semaphore_mem>>)
      %mul3A_422 = arith.constant 4 : i32
      %mul3A_423 = arith.muli %scan3A_320, %mul3A_422 : i32
      %add3A_424 = arith.constant 2 : i32
      %add3A_425 = arith.addi %add3A_424, %mul3A_423 : i32
      %add3A_426 = arith.constant 1 : i32
      %add3A_427 = arith.addi %add3A_425, %add3A_426 : i32
      %mul3A_428 = arith.constant 2 : i32
      %mul3A_429 = arith.muli %add3A_427, %mul3A_428 : i32
      %add3A_430 = arith.constant 0 : i32
      %add3A_431 = arith.addi %mul3A_429, %add3A_430 : i32
      %mul3A_432 = arith.constant 2 : i32
      %mul3A_433 = arith.muli %add3A_427, %mul3A_432 : i32
      %add3A_434 = arith.constant 1 : i32
      %add3A_435 = arith.addi %mul3A_433, %add3A_434 : i32
      %dma_wait3A_436 = arith.constant 3 : i32
      %dma_wait3A_437 = arith.constant 0 : i32
      %dma_wait3A_438 = arith.constant 0 : i32
      %dma_wait3A_439 = tpu.memref_slice %arg6[%dma_wait3A_436, %dma_wait3A_437, %dma_wait3A_438] : memref<4x256x64xf32, #tpu.memory_space<vmem>> -> memref<1x128x64xf32, #tpu.memory_space<vmem>>
      %dma_wait3A_440 = tpu.memref_squeeze %dma_wait3A_439 : memref<1x128x64xf32, #tpu.memory_space<vmem>> -> memref<128x64xf32, #tpu.memory_space<vmem>>
      %dma_wait3A_441 = arith.constant 0 : i32
      %dma_wait3A_442 = tpu.memref_slice %arg5[%add3A_431, %dma_wait3A_441] : memref<64x128xi32, #tpu.memory_space<vmem>> -> memref<1x128xi32, #tpu.memory_space<vmem>>
      %dma_wait3A_443 = tpu.memref_squeeze %dma_wait3A_442 : memref<1x128xi32, #tpu.memory_space<vmem>> -> memref<128xi32, #tpu.memory_space<vmem>>
      %dma_wait3A_444 = arith.constant 0 : i32
      %dma_wait3A_445 = arith.constant 0 : i32
      %dma_wait3A_446 = tpu.memref_slice %arg3[%dma_wait3A_444, %dma_wait3A_445] : memref<8192x64xf32, #tpu.memory_space<hbm>> -> memref<8192x64xf32, #tpu.memory_space<hbm>>
      tpu.wait_indirect_dma semaphore(%arg10 : memref<!tpu.dma_semaphore, #tpu.memory_space<semaphore_mem>>) src(%dma_wait3A_446 : memref<8192x64xf32, #tpu.memory_space<hbm>>) dst(%dma_wait3A_440 : memref<128x64xf32, #tpu.memory_space<vmem>>)
      %dma_wait3A_447 = arith.constant 3 : i32
      %dma_wait3A_448 = arith.constant 128 : i32
      %dma_wait3A_449 = arith.constant 0 : i32
      %dma_wait3A_450 = tpu.memref_slice %arg6[%dma_wait3A_447, %dma_wait3A_448, %dma_wait3A_449] : memref<4x256x64xf32, #tpu.memory_space<vmem>> -> memref<1x128x64xf32, #tpu.memory_space<vmem>>
      %dma_wait3A_451 = tpu.memref_squeeze %dma_wait3A_450 : memref<1x128x64xf32, #tpu.memory_space<vmem>> -> memref<128x64xf32, #tpu.memory_space<vmem>>
      %dma_wait3A_452 = arith.constant 0 : i32
      %dma_wait3A_453 = tpu.memref_slice %arg5[%add3A_435, %dma_wait3A_452] : memref<64x128xi32, #tpu.memory_space<vmem>> -> memref<1x128xi32, #tpu.memory_space<vmem>>
      %dma_wait3A_454 = tpu.memref_squeeze %dma_wait3A_453 : memref<1x128xi32, #tpu.memory_space<vmem>> -> memref<128xi32, #tpu.memory_space<vmem>>
      %dma_wait3A_455 = arith.constant 0 : i32
      %dma_wait3A_456 = arith.constant 0 : i32
      %dma_wait3A_457 = tpu.memref_slice %arg3[%dma_wait3A_455, %dma_wait3A_456] : memref<8192x64xf32, #tpu.memory_space<hbm>> -> memref<8192x64xf32, #tpu.memory_space<hbm>>
      tpu.wait_indirect_dma semaphore(%arg10 : memref<!tpu.dma_semaphore, #tpu.memory_space<semaphore_mem>>) src(%dma_wait3A_457 : memref<8192x64xf32, #tpu.memory_space<hbm>>) dst(%dma_wait3A_451 : memref<128x64xf32, #tpu.memory_space<vmem>>)
      %mul3A_458 = arith.constant 256 : i32
      %mul3A_459 = arith.muli %add3A_427, %mul3A_458 : i32
      %add3A_460 = arith.addi %mul3A_2, %mul3A_459 : i32
      %dma_start3A_461 = arith.constant 3 : i32
      %dma_start3A_462 = arith.constant 0 : i32
      %dma_start3A_463 = arith.constant 0 : i32
      %dma_start3A_464 = tpu.memref_slice %arg6[%dma_start3A_461, %dma_start3A_462, %dma_start3A_463] : memref<4x256x64xf32, #tpu.memory_space<vmem>> -> memref<1x256x64xf32, #tpu.memory_space<vmem>>
      %dma_start3A_465 = tpu.memref_squeeze %dma_start3A_464 : memref<1x256x64xf32, #tpu.memory_space<vmem>> -> memref<256x64xf32, #tpu.memory_space<vmem>>
      %dma_start3A_466 = arith.constant 0 : i32
      %dma_start3A_467 = tpu.memref_slice %arg4[%add3A_460, %dma_start3A_466] : memref<262144x64xf32, #tpu.memory_space<hbm>> -> memref<256x64xf32, #tpu.memory_space<hbm>>
      %dma_start3A_468 = arith.constant 0 : i32
      %dma_start3A_469 = tpu.memref_slice %arg4[%add3A_460, %dma_start3A_468] : memref<262144x64xf32, #tpu.memory_space<hbm>> -> memref<256x64xf32, #tpu.memory_space<hbm>>
      %dma_start3A_470 = arith.constant 0 : i32
      %dma_start3A_471 = arith.constant 0 : i32
      %dma_start3A_472 = tpu.memref_slice %arg6[%dma_start3A_461, %dma_start3A_470, %dma_start3A_471] : memref<4x256x64xf32, #tpu.memory_space<vmem>> -> memref<1x256x64xf32, #tpu.memory_space<vmem>>
      %dma_start3A_473 = tpu.memref_squeeze %dma_start3A_472 : memref<1x256x64xf32, #tpu.memory_space<vmem>> -> memref<256x64xf32, #tpu.memory_space<vmem>>
      tpu.enqueue_dma source(%dma_start3A_473 : memref<256x64xf32, #tpu.memory_space<vmem>>) target(%dma_start3A_469 : memref<256x64xf32, #tpu.memory_space<hbm>>) target_semaphore(%arg14 : memref<!tpu.dma_semaphore, #tpu.memory_space<semaphore_mem>>)
      %sub3A_474 = arith.constant 2 : i32
      %sub3A_475 = arith.subi %add3A_427, %sub3A_474 : i32
      %mul3A_476 = arith.constant 256 : i32
      %mul3A_477 = arith.muli %sub3A_475, %mul3A_476 : i32
      %add3A_478 = arith.addi %mul3A_2, %mul3A_477 : i32
      %dma_wait3A_479 = arith.constant 1 : i32
      %dma_wait3A_480 = arith.constant 0 : i32
      %dma_wait3A_481 = arith.constant 0 : i32
      %dma_wait3A_482 = tpu.memref_slice %arg6[%dma_wait3A_479, %dma_wait3A_480, %dma_wait3A_481] : memref<4x256x64xf32, #tpu.memory_space<vmem>> -> memref<1x256x64xf32, #tpu.memory_space<vmem>>
      %dma_wait3A_483 = tpu.memref_squeeze %dma_wait3A_482 : memref<1x256x64xf32, #tpu.memory_space<vmem>> -> memref<256x64xf32, #tpu.memory_space<vmem>>
      %dma_wait3A_484 = arith.constant 0 : i32
      %dma_wait3A_485 = tpu.memref_slice %arg4[%add3A_478, %dma_wait3A_484] : memref<262144x64xf32, #tpu.memory_space<hbm>> -> memref<256x64xf32, #tpu.memory_space<hbm>>
      %dma_wait3A_486 = arith.constant 0 : i32
      %dma_wait3A_487 = tpu.memref_slice %arg4[%add3A_478, %dma_wait3A_486] : memref<262144x64xf32, #tpu.memory_space<hbm>> -> memref<256x64xf32, #tpu.memory_space<hbm>>
      %dma_wait3A_488 = arith.constant 0 : i32
      %dma_wait3A_489 = arith.constant 0 : i32
      %dma_wait3A_490 = tpu.memref_slice %arg6[%dma_wait3A_479, %dma_wait3A_488, %dma_wait3A_489] : memref<4x256x64xf32, #tpu.memory_space<vmem>> -> memref<1x256x64xf32, #tpu.memory_space<vmem>>
      %dma_wait3A_491 = tpu.memref_squeeze %dma_wait3A_490 : memref<1x256x64xf32, #tpu.memory_space<vmem>> -> memref<256x64xf32, #tpu.memory_space<vmem>>
      tpu.wait_dma2 semaphore(%arg12 : memref<!tpu.dma_semaphore, #tpu.memory_space<semaphore_mem>>) src(%dma_wait3A_491 : memref<256x64xf32, #tpu.memory_space<vmem>>) dst(%dma_wait3A_487 : memref<256x64xf32, #tpu.memory_space<hbm>>)
      %add3A_492 = arith.constant 2 : i32
      %add3A_493 = arith.addi %add3A_427, %add3A_492 : i32
      %mul3A_494 = arith.constant 2 : i32
      %mul3A_495 = arith.muli %add3A_493, %mul3A_494 : i32
      %add3A_496 = arith.constant 0 : i32
      %add3A_497 = arith.addi %mul3A_495, %add3A_496 : i32
      %mul3A_498 = arith.constant 2 : i32
      %mul3A_499 = arith.muli %add3A_493, %mul3A_498 : i32
      %add3A_500 = arith.constant 1 : i32
      %add3A_501 = arith.addi %mul3A_499, %add3A_500 : i32
      %dma_start3A_502 = arith.constant 1 : i32
      %dma_start3A_503 = arith.constant 0 : i32
      %dma_start3A_504 = arith.constant 0 : i32
      %dma_start3A_505 = tpu.memref_slice %arg6[%dma_start3A_502, %dma_start3A_503, %dma_start3A_504] : memref<4x256x64xf32, #tpu.memory_space<vmem>> -> memref<1x128x64xf32, #tpu.memory_space<vmem>>
      %dma_start3A_506 = tpu.memref_squeeze %dma_start3A_505 : memref<1x128x64xf32, #tpu.memory_space<vmem>> -> memref<128x64xf32, #tpu.memory_space<vmem>>
      %dma_start3A_507 = arith.constant 0 : i32
      %dma_start3A_508 = tpu.memref_slice %arg5[%add3A_497, %dma_start3A_507] : memref<64x128xi32, #tpu.memory_space<vmem>> -> memref<1x128xi32, #tpu.memory_space<vmem>>
      %dma_start3A_509 = tpu.memref_squeeze %dma_start3A_508 : memref<1x128xi32, #tpu.memory_space<vmem>> -> memref<128xi32, #tpu.memory_space<vmem>>
      %dma_start3A_510 = arith.constant 0 : i32
      %dma_start3A_511 = arith.constant 0 : i32
      %dma_start3A_512 = tpu.memref_slice %arg3[%dma_start3A_510, %dma_start3A_511] : memref<8192x64xf32, #tpu.memory_space<hbm>> -> memref<8192x64xf32, #tpu.memory_space<hbm>>
      tpu.enqueue_indirect_dma source(%dma_start3A_512 : memref<8192x64xf32, #tpu.memory_space<hbm>>) target(%dma_start3A_506 : memref<128x64xf32, #tpu.memory_space<vmem>>) offsets(%dma_start3A_509 : memref<128xi32, #tpu.memory_space<vmem>>) semaphore(%arg8 : memref<!tpu.dma_semaphore, #tpu.memory_space<semaphore_mem>>)
      %dma_start3A_513 = arith.constant 1 : i32
      %dma_start3A_514 = arith.constant 128 : i32
      %dma_start3A_515 = arith.constant 0 : i32
      %dma_start3A_516 = tpu.memref_slice %arg6[%dma_start3A_513, %dma_start3A_514, %dma_start3A_515] : memref<4x256x64xf32, #tpu.memory_space<vmem>> -> memref<1x128x64xf32, #tpu.memory_space<vmem>>
      %dma_start3A_517 = tpu.memref_squeeze %dma_start3A_516 : memref<1x128x64xf32, #tpu.memory_space<vmem>> -> memref<128x64xf32, #tpu.memory_space<vmem>>
      %dma_start3A_518 = arith.constant 0 : i32
      %dma_start3A_519 = tpu.memref_slice %arg5[%add3A_501, %dma_start3A_518] : memref<64x128xi32, #tpu.memory_space<vmem>> -> memref<1x128xi32, #tpu.memory_space<vmem>>
      %dma_start3A_520 = tpu.memref_squeeze %dma_start3A_519 : memref<1x128xi32, #tpu.memory_space<vmem>> -> memref<128xi32, #tpu.memory_space<vmem>>
      %dma_start3A_521 = arith.constant 0 : i32
      %dma_start3A_522 = arith.constant 0 : i32
      %dma_start3A_523 = tpu.memref_slice %arg3[%dma_start3A_521, %dma_start3A_522] : memref<8192x64xf32, #tpu.memory_space<hbm>> -> memref<8192x64xf32, #tpu.memory_space<hbm>>
      tpu.enqueue_indirect_dma source(%dma_start3A_523 : memref<8192x64xf32, #tpu.memory_space<hbm>>) target(%dma_start3A_517 : memref<128x64xf32, #tpu.memory_space<vmem>>) offsets(%dma_start3A_520 : memref<128xi32, #tpu.memory_space<vmem>>) semaphore(%arg8 : memref<!tpu.dma_semaphore, #tpu.memory_space<semaphore_mem>>)
      %mul3A_524 = arith.constant 4 : i32
      %mul3A_525 = arith.muli %scan3A_320, %mul3A_524 : i32
      %add3A_526 = arith.constant 2 : i32
      %add3A_527 = arith.addi %add3A_526, %mul3A_525 : i32
      %add3A_528 = arith.constant 2 : i32
      %add3A_529 = arith.addi %add3A_527, %add3A_528 : i32
      %mul3A_530 = arith.constant 2 : i32
      %mul3A_531 = arith.muli %add3A_529, %mul3A_530 : i32
      %add3A_532 = arith.constant 0 : i32
      %add3A_533 = arith.addi %mul3A_531, %add3A_532 : i32
      %mul3A_534 = arith.constant 2 : i32
      %mul3A_535 = arith.muli %add3A_529, %mul3A_534 : i32
      %add3A_536 = arith.constant 1 : i32
      %add3A_537 = arith.addi %mul3A_535, %add3A_536 : i32
      %dma_wait3A_538 = arith.constant 0 : i32
      %dma_wait3A_539 = arith.constant 0 : i32
      %dma_wait3A_540 = arith.constant 0 : i32
      %dma_wait3A_541 = tpu.memref_slice %arg6[%dma_wait3A_538, %dma_wait3A_539, %dma_wait3A_540] : memref<4x256x64xf32, #tpu.memory_space<vmem>> -> memref<1x128x64xf32, #tpu.memory_space<vmem>>
      %dma_wait3A_542 = tpu.memref_squeeze %dma_wait3A_541 : memref<1x128x64xf32, #tpu.memory_space<vmem>> -> memref<128x64xf32, #tpu.memory_space<vmem>>
      %dma_wait3A_543 = arith.constant 0 : i32
      %dma_wait3A_544 = tpu.memref_slice %arg5[%add3A_533, %dma_wait3A_543] : memref<64x128xi32, #tpu.memory_space<vmem>> -> memref<1x128xi32, #tpu.memory_space<vmem>>
      %dma_wait3A_545 = tpu.memref_squeeze %dma_wait3A_544 : memref<1x128xi32, #tpu.memory_space<vmem>> -> memref<128xi32, #tpu.memory_space<vmem>>
      %dma_wait3A_546 = arith.constant 0 : i32
      %dma_wait3A_547 = arith.constant 0 : i32
      %dma_wait3A_548 = tpu.memref_slice %arg3[%dma_wait3A_546, %dma_wait3A_547] : memref<8192x64xf32, #tpu.memory_space<hbm>> -> memref<8192x64xf32, #tpu.memory_space<hbm>>
      tpu.wait_indirect_dma semaphore(%arg7 : memref<!tpu.dma_semaphore, #tpu.memory_space<semaphore_mem>>) src(%dma_wait3A_548 : memref<8192x64xf32, #tpu.memory_space<hbm>>) dst(%dma_wait3A_542 : memref<128x64xf32, #tpu.memory_space<vmem>>)
      %dma_wait3A_549 = arith.constant 0 : i32
      %dma_wait3A_550 = arith.constant 128 : i32
      %dma_wait3A_551 = arith.constant 0 : i32
      %dma_wait3A_552 = tpu.memref_slice %arg6[%dma_wait3A_549, %dma_wait3A_550, %dma_wait3A_551] : memref<4x256x64xf32, #tpu.memory_space<vmem>> -> memref<1x128x64xf32, #tpu.memory_space<vmem>>
      %dma_wait3A_553 = tpu.memref_squeeze %dma_wait3A_552 : memref<1x128x64xf32, #tpu.memory_space<vmem>> -> memref<128x64xf32, #tpu.memory_space<vmem>>
      %dma_wait3A_554 = arith.constant 0 : i32
      %dma_wait3A_555 = tpu.memref_slice %arg5[%add3A_537, %dma_wait3A_554] : memref<64x128xi32, #tpu.memory_space<vmem>> -> memref<1x128xi32, #tpu.memory_space<vmem>>
      %dma_wait3A_556 = tpu.memref_squeeze %dma_wait3A_555 : memref<1x128xi32, #tpu.memory_space<vmem>> -> memref<128xi32, #tpu.memory_space<vmem>>
      %dma_wait3A_557 = arith.constant 0 : i32
      %dma_wait3A_558 = arith.constant 0 : i32
      %dma_wait3A_559 = tpu.memref_slice %arg3[%dma_wait3A_557, %dma_wait3A_558] : memref<8192x64xf32, #tpu.memory_space<hbm>> -> memref<8192x64xf32, #tpu.memory_space<hbm>>
      tpu.wait_indirect_dma semaphore(%arg7 : memref<!tpu.dma_semaphore, #tpu.memory_space<semaphore_mem>>) src(%dma_wait3A_559 : memref<8192x64xf32, #tpu.memory_space<hbm>>) dst(%dma_wait3A_553 : memref<128x64xf32, #tpu.memory_space<vmem>>)
      %mul3A_560 = arith.constant 256 : i32
      %mul3A_561 = arith.muli %add3A_529, %mul3A_560 : i32
      %add3A_562 = arith.addi %mul3A_2, %mul3A_561 : i32
      %dma_start3A_563 = arith.constant 0 : i32
      %dma_start3A_564 = arith.constant 0 : i32
      %dma_start3A_565 = arith.constant 0 : i32
      %dma_start3A_566 = tpu.memref_slice %arg6[%dma_start3A_563, %dma_start3A_564, %dma_start3A_565] : memref<4x256x64xf32, #tpu.memory_space<vmem>> -> memref<1x256x64xf32, #tpu.memory_space<vmem>>
      %dma_start3A_567 = tpu.memref_squeeze %dma_start3A_566 : memref<1x256x64xf32, #tpu.memory_space<vmem>> -> memref<256x64xf32, #tpu.memory_space<vmem>>
      %dma_start3A_568 = arith.constant 0 : i32
      %dma_start3A_569 = tpu.memref_slice %arg4[%add3A_562, %dma_start3A_568] : memref<262144x64xf32, #tpu.memory_space<hbm>> -> memref<256x64xf32, #tpu.memory_space<hbm>>
      %dma_start3A_570 = arith.constant 0 : i32
      %dma_start3A_571 = tpu.memref_slice %arg4[%add3A_562, %dma_start3A_570] : memref<262144x64xf32, #tpu.memory_space<hbm>> -> memref<256x64xf32, #tpu.memory_space<hbm>>
      %dma_start3A_572 = arith.constant 0 : i32
      %dma_start3A_573 = arith.constant 0 : i32
      %dma_start3A_574 = tpu.memref_slice %arg6[%dma_start3A_563, %dma_start3A_572, %dma_start3A_573] : memref<4x256x64xf32, #tpu.memory_space<vmem>> -> memref<1x256x64xf32, #tpu.memory_space<vmem>>
      %dma_start3A_575 = tpu.memref_squeeze %dma_start3A_574 : memref<1x256x64xf32, #tpu.memory_space<vmem>> -> memref<256x64xf32, #tpu.memory_space<vmem>>
      tpu.enqueue_dma source(%dma_start3A_575 : memref<256x64xf32, #tpu.memory_space<vmem>>) target(%dma_start3A_571 : memref<256x64xf32, #tpu.memory_space<hbm>>) target_semaphore(%arg11 : memref<!tpu.dma_semaphore, #tpu.memory_space<semaphore_mem>>)
      %sub3A_576 = arith.constant 2 : i32
      %sub3A_577 = arith.subi %add3A_529, %sub3A_576 : i32
      %mul3A_578 = arith.constant 256 : i32
      %mul3A_579 = arith.muli %sub3A_577, %mul3A_578 : i32
      %add3A_580 = arith.addi %mul3A_2, %mul3A_579 : i32
      %dma_wait3A_581 = arith.constant 2 : i32
      %dma_wait3A_582 = arith.constant 0 : i32
      %dma_wait3A_583 = arith.constant 0 : i32
      %dma_wait3A_584 = tpu.memref_slice %arg6[%dma_wait3A_581, %dma_wait3A_582, %dma_wait3A_583] : memref<4x256x64xf32, #tpu.memory_space<vmem>> -> memref<1x256x64xf32, #tpu.memory_space<vmem>>
      %dma_wait3A_585 = tpu.memref_squeeze %dma_wait3A_584 : memref<1x256x64xf32, #tpu.memory_space<vmem>> -> memref<256x64xf32, #tpu.memory_space<vmem>>
      %dma_wait3A_586 = arith.constant 0 : i32
      %dma_wait3A_587 = tpu.memref_slice %arg4[%add3A_580, %dma_wait3A_586] : memref<262144x64xf32, #tpu.memory_space<hbm>> -> memref<256x64xf32, #tpu.memory_space<hbm>>
      %dma_wait3A_588 = arith.constant 0 : i32
      %dma_wait3A_589 = tpu.memref_slice %arg4[%add3A_580, %dma_wait3A_588] : memref<262144x64xf32, #tpu.memory_space<hbm>> -> memref<256x64xf32, #tpu.memory_space<hbm>>
      %dma_wait3A_590 = arith.constant 0 : i32
      %dma_wait3A_591 = arith.constant 0 : i32
      %dma_wait3A_592 = tpu.memref_slice %arg6[%dma_wait3A_581, %dma_wait3A_590, %dma_wait3A_591] : memref<4x256x64xf32, #tpu.memory_space<vmem>> -> memref<1x256x64xf32, #tpu.memory_space<vmem>>
      %dma_wait3A_593 = tpu.memref_squeeze %dma_wait3A_592 : memref<1x256x64xf32, #tpu.memory_space<vmem>> -> memref<256x64xf32, #tpu.memory_space<vmem>>
      tpu.wait_dma2 semaphore(%arg13 : memref<!tpu.dma_semaphore, #tpu.memory_space<semaphore_mem>>) src(%dma_wait3A_593 : memref<256x64xf32, #tpu.memory_space<vmem>>) dst(%dma_wait3A_589 : memref<256x64xf32, #tpu.memory_space<hbm>>)
      %add3A_594 = arith.constant 2 : i32
      %add3A_595 = arith.addi %add3A_529, %add3A_594 : i32
      %mul3A_596 = arith.constant 2 : i32
      %mul3A_597 = arith.muli %add3A_595, %mul3A_596 : i32
      %add3A_598 = arith.constant 0 : i32
      %add3A_599 = arith.addi %mul3A_597, %add3A_598 : i32
      %mul3A_600 = arith.constant 2 : i32
      %mul3A_601 = arith.muli %add3A_595, %mul3A_600 : i32
      %add3A_602 = arith.constant 1 : i32
      %add3A_603 = arith.addi %mul3A_601, %add3A_602 : i32
      %dma_start3A_604 = arith.constant 2 : i32
      %dma_start3A_605 = arith.constant 0 : i32
      %dma_start3A_606 = arith.constant 0 : i32
      %dma_start3A_607 = tpu.memref_slice %arg6[%dma_start3A_604, %dma_start3A_605, %dma_start3A_606] : memref<4x256x64xf32, #tpu.memory_space<vmem>> -> memref<1x128x64xf32, #tpu.memory_space<vmem>>
      %dma_start3A_608 = tpu.memref_squeeze %dma_start3A_607 : memref<1x128x64xf32, #tpu.memory_space<vmem>> -> memref<128x64xf32, #tpu.memory_space<vmem>>
      %dma_start3A_609 = arith.constant 0 : i32
      %dma_start3A_610 = tpu.memref_slice %arg5[%add3A_599, %dma_start3A_609] : memref<64x128xi32, #tpu.memory_space<vmem>> -> memref<1x128xi32, #tpu.memory_space<vmem>>
      %dma_start3A_611 = tpu.memref_squeeze %dma_start3A_610 : memref<1x128xi32, #tpu.memory_space<vmem>> -> memref<128xi32, #tpu.memory_space<vmem>>
      %dma_start3A_612 = arith.constant 0 : i32
      %dma_start3A_613 = arith.constant 0 : i32
      %dma_start3A_614 = tpu.memref_slice %arg3[%dma_start3A_612, %dma_start3A_613] : memref<8192x64xf32, #tpu.memory_space<hbm>> -> memref<8192x64xf32, #tpu.memory_space<hbm>>
      tpu.enqueue_indirect_dma source(%dma_start3A_614 : memref<8192x64xf32, #tpu.memory_space<hbm>>) target(%dma_start3A_608 : memref<128x64xf32, #tpu.memory_space<vmem>>) offsets(%dma_start3A_611 : memref<128xi32, #tpu.memory_space<vmem>>) semaphore(%arg9 : memref<!tpu.dma_semaphore, #tpu.memory_space<semaphore_mem>>)
      %dma_start3A_615 = arith.constant 2 : i32
      %dma_start3A_616 = arith.constant 128 : i32
      %dma_start3A_617 = arith.constant 0 : i32
      %dma_start3A_618 = tpu.memref_slice %arg6[%dma_start3A_615, %dma_start3A_616, %dma_start3A_617] : memref<4x256x64xf32, #tpu.memory_space<vmem>> -> memref<1x128x64xf32, #tpu.memory_space<vmem>>
      %dma_start3A_619 = tpu.memref_squeeze %dma_start3A_618 : memref<1x128x64xf32, #tpu.memory_space<vmem>> -> memref<128x64xf32, #tpu.memory_space<vmem>>
      %dma_start3A_620 = arith.constant 0 : i32
      %dma_start3A_621 = tpu.memref_slice %arg5[%add3A_603, %dma_start3A_620] : memref<64x128xi32, #tpu.memory_space<vmem>> -> memref<1x128xi32, #tpu.memory_space<vmem>>
      %dma_start3A_622 = tpu.memref_squeeze %dma_start3A_621 : memref<1x128xi32, #tpu.memory_space<vmem>> -> memref<128xi32, #tpu.memory_space<vmem>>
      %dma_start3A_623 = arith.constant 0 : i32
      %dma_start3A_624 = arith.constant 0 : i32
      %dma_start3A_625 = tpu.memref_slice %arg3[%dma_start3A_623, %dma_start3A_624] : memref<8192x64xf32, #tpu.memory_space<hbm>> -> memref<8192x64xf32, #tpu.memory_space<hbm>>
      tpu.enqueue_indirect_dma source(%dma_start3A_625 : memref<8192x64xf32, #tpu.memory_space<hbm>>) target(%dma_start3A_619 : memref<128x64xf32, #tpu.memory_space<vmem>>) offsets(%dma_start3A_622 : memref<128xi32, #tpu.memory_space<vmem>>) semaphore(%arg9 : memref<!tpu.dma_semaphore, #tpu.memory_space<semaphore_mem>>)
      %mul3A_626 = arith.constant 4 : i32
      %mul3A_627 = arith.muli %scan3A_320, %mul3A_626 : i32
      %add3A_628 = arith.constant 2 : i32
      %add3A_629 = arith.addi %add3A_628, %mul3A_627 : i32
      %add3A_630 = arith.constant 3 : i32
      %add3A_631 = arith.addi %add3A_629, %add3A_630 : i32
      %mul3A_632 = arith.constant 2 : i32
      %mul3A_633 = arith.muli %add3A_631, %mul3A_632 : i32
      %add3A_634 = arith.constant 0 : i32
      %add3A_635 = arith.addi %mul3A_633, %add3A_634 : i32
      %mul3A_636 = arith.constant 2 : i32
      %mul3A_637 = arith.muli %add3A_631, %mul3A_636 : i32
      %add3A_638 = arith.constant 1 : i32
      %add3A_639 = arith.addi %mul3A_637, %add3A_638 : i32
      %dma_wait3A_640 = arith.constant 1 : i32
      %dma_wait3A_641 = arith.constant 0 : i32
      %dma_wait3A_642 = arith.constant 0 : i32
      %dma_wait3A_643 = tpu.memref_slice %arg6[%dma_wait3A_640, %dma_wait3A_641, %dma_wait3A_642] : memref<4x256x64xf32, #tpu.memory_space<vmem>> -> memref<1x128x64xf32, #tpu.memory_space<vmem>>
      %dma_wait3A_644 = tpu.memref_squeeze %dma_wait3A_643 : memref<1x128x64xf32, #tpu.memory_space<vmem>> -> memref<128x64xf32, #tpu.memory_space<vmem>>
      %dma_wait3A_645 = arith.constant 0 : i32
      %dma_wait3A_646 = tpu.memref_slice %arg5[%add3A_635, %dma_wait3A_645] : memref<64x128xi32, #tpu.memory_space<vmem>> -> memref<1x128xi32, #tpu.memory_space<vmem>>
      %dma_wait3A_647 = tpu.memref_squeeze %dma_wait3A_646 : memref<1x128xi32, #tpu.memory_space<vmem>> -> memref<128xi32, #tpu.memory_space<vmem>>
      %dma_wait3A_648 = arith.constant 0 : i32
      %dma_wait3A_649 = arith.constant 0 : i32
      %dma_wait3A_650 = tpu.memref_slice %arg3[%dma_wait3A_648, %dma_wait3A_649] : memref<8192x64xf32, #tpu.memory_space<hbm>> -> memref<8192x64xf32, #tpu.memory_space<hbm>>
      tpu.wait_indirect_dma semaphore(%arg8 : memref<!tpu.dma_semaphore, #tpu.memory_space<semaphore_mem>>) src(%dma_wait3A_650 : memref<8192x64xf32, #tpu.memory_space<hbm>>) dst(%dma_wait3A_644 : memref<128x64xf32, #tpu.memory_space<vmem>>)
      %dma_wait3A_651 = arith.constant 1 : i32
      %dma_wait3A_652 = arith.constant 128 : i32
      %dma_wait3A_653 = arith.constant 0 : i32
      %dma_wait3A_654 = tpu.memref_slice %arg6[%dma_wait3A_651, %dma_wait3A_652, %dma_wait3A_653] : memref<4x256x64xf32, #tpu.memory_space<vmem>> -> memref<1x128x64xf32, #tpu.memory_space<vmem>>
      %dma_wait3A_655 = tpu.memref_squeeze %dma_wait3A_654 : memref<1x128x64xf32, #tpu.memory_space<vmem>> -> memref<128x64xf32, #tpu.memory_space<vmem>>
      %dma_wait3A_656 = arith.constant 0 : i32
      %dma_wait3A_657 = tpu.memref_slice %arg5[%add3A_639, %dma_wait3A_656] : memref<64x128xi32, #tpu.memory_space<vmem>> -> memref<1x128xi32, #tpu.memory_space<vmem>>
      %dma_wait3A_658 = tpu.memref_squeeze %dma_wait3A_657 : memref<1x128xi32, #tpu.memory_space<vmem>> -> memref<128xi32, #tpu.memory_space<vmem>>
      %dma_wait3A_659 = arith.constant 0 : i32
      %dma_wait3A_660 = arith.constant 0 : i32
      %dma_wait3A_661 = tpu.memref_slice %arg3[%dma_wait3A_659, %dma_wait3A_660] : memref<8192x64xf32, #tpu.memory_space<hbm>> -> memref<8192x64xf32, #tpu.memory_space<hbm>>
      tpu.wait_indirect_dma semaphore(%arg8 : memref<!tpu.dma_semaphore, #tpu.memory_space<semaphore_mem>>) src(%dma_wait3A_661 : memref<8192x64xf32, #tpu.memory_space<hbm>>) dst(%dma_wait3A_655 : memref<128x64xf32, #tpu.memory_space<vmem>>)
      %mul3A_662 = arith.constant 256 : i32
      %mul3A_663 = arith.muli %add3A_631, %mul3A_662 : i32
      %add3A_664 = arith.addi %mul3A_2, %mul3A_663 : i32
      %dma_start3A_665 = arith.constant 1 : i32
      %dma_start3A_666 = arith.constant 0 : i32
      %dma_start3A_667 = arith.constant 0 : i32
      %dma_start3A_668 = tpu.memref_slice %arg6[%dma_start3A_665, %dma_start3A_666, %dma_start3A_667] : memref<4x256x64xf32, #tpu.memory_space<vmem>> -> memref<1x256x64xf32, #tpu.memory_space<vmem>>
      %dma_start3A_669 = tpu.memref_squeeze %dma_start3A_668 : memref<1x256x64xf32, #tpu.memory_space<vmem>> -> memref<256x64xf32, #tpu.memory_space<vmem>>
      %dma_start3A_670 = arith.constant 0 : i32
      %dma_start3A_671 = tpu.memref_slice %arg4[%add3A_664, %dma_start3A_670] : memref<262144x64xf32, #tpu.memory_space<hbm>> -> memref<256x64xf32, #tpu.memory_space<hbm>>
      %dma_start3A_672 = arith.constant 0 : i32
      %dma_start3A_673 = tpu.memref_slice %arg4[%add3A_664, %dma_start3A_672] : memref<262144x64xf32, #tpu.memory_space<hbm>> -> memref<256x64xf32, #tpu.memory_space<hbm>>
      %dma_start3A_674 = arith.constant 0 : i32
      %dma_start3A_675 = arith.constant 0 : i32
      %dma_start3A_676 = tpu.memref_slice %arg6[%dma_start3A_665, %dma_start3A_674, %dma_start3A_675] : memref<4x256x64xf32, #tpu.memory_space<vmem>> -> memref<1x256x64xf32, #tpu.memory_space<vmem>>
      %dma_start3A_677 = tpu.memref_squeeze %dma_start3A_676 : memref<1x256x64xf32, #tpu.memory_space<vmem>> -> memref<256x64xf32, #tpu.memory_space<vmem>>
      tpu.enqueue_dma source(%dma_start3A_677 : memref<256x64xf32, #tpu.memory_space<vmem>>) target(%dma_start3A_673 : memref<256x64xf32, #tpu.memory_space<hbm>>) target_semaphore(%arg12 : memref<!tpu.dma_semaphore, #tpu.memory_space<semaphore_mem>>)
      %sub3A_678 = arith.constant 2 : i32
      %sub3A_679 = arith.subi %add3A_631, %sub3A_678 : i32
      %mul3A_680 = arith.constant 256 : i32
      %mul3A_681 = arith.muli %sub3A_679, %mul3A_680 : i32
      %add3A_682 = arith.addi %mul3A_2, %mul3A_681 : i32
      %dma_wait3A_683 = arith.constant 3 : i32
      %dma_wait3A_684 = arith.constant 0 : i32
      %dma_wait3A_685 = arith.constant 0 : i32
      %dma_wait3A_686 = tpu.memref_slice %arg6[%dma_wait3A_683, %dma_wait3A_684, %dma_wait3A_685] : memref<4x256x64xf32, #tpu.memory_space<vmem>> -> memref<1x256x64xf32, #tpu.memory_space<vmem>>
      %dma_wait3A_687 = tpu.memref_squeeze %dma_wait3A_686 : memref<1x256x64xf32, #tpu.memory_space<vmem>> -> memref<256x64xf32, #tpu.memory_space<vmem>>
      %dma_wait3A_688 = arith.constant 0 : i32
      %dma_wait3A_689 = tpu.memref_slice %arg4[%add3A_682, %dma_wait3A_688] : memref<262144x64xf32, #tpu.memory_space<hbm>> -> memref<256x64xf32, #tpu.memory_space<hbm>>
      %dma_wait3A_690 = arith.constant 0 : i32
      %dma_wait3A_691 = tpu.memref_slice %arg4[%add3A_682, %dma_wait3A_690] : memref<262144x64xf32, #tpu.memory_space<hbm>> -> memref<256x64xf32, #tpu.memory_space<hbm>>
      %dma_wait3A_692 = arith.constant 0 : i32
      %dma_wait3A_693 = arith.constant 0 : i32
      %dma_wait3A_694 = tpu.memref_slice %arg6[%dma_wait3A_683, %dma_wait3A_692, %dma_wait3A_693] : memref<4x256x64xf32, #tpu.memory_space<vmem>> -> memref<1x256x64xf32, #tpu.memory_space<vmem>>
      %dma_wait3A_695 = tpu.memref_squeeze %dma_wait3A_694 : memref<1x256x64xf32, #tpu.memory_space<vmem>> -> memref<256x64xf32, #tpu.memory_space<vmem>>
      tpu.wait_dma2 semaphore(%arg14 : memref<!tpu.dma_semaphore, #tpu.memory_space<semaphore_mem>>) src(%dma_wait3A_695 : memref<256x64xf32, #tpu.memory_space<vmem>>) dst(%dma_wait3A_691 : memref<256x64xf32, #tpu.memory_space<hbm>>)
      %add3A_696 = arith.constant 2 : i32
      %add3A_697 = arith.addi %add3A_631, %add3A_696 : i32
      %mul3A_698 = arith.constant 2 : i32
      %mul3A_699 = arith.muli %add3A_697, %mul3A_698 : i32
      %add3A_700 = arith.constant 0 : i32
      %add3A_701 = arith.addi %mul3A_699, %add3A_700 : i32
      %mul3A_702 = arith.constant 2 : i32
      %mul3A_703 = arith.muli %add3A_697, %mul3A_702 : i32
      %add3A_704 = arith.constant 1 : i32
      %add3A_705 = arith.addi %mul3A_703, %add3A_704 : i32
      %dma_start3A_706 = arith.constant 3 : i32
      %dma_start3A_707 = arith.constant 0 : i32
      %dma_start3A_708 = arith.constant 0 : i32
      %dma_start3A_709 = tpu.memref_slice %arg6[%dma_start3A_706, %dma_start3A_707, %dma_start3A_708] : memref<4x256x64xf32, #tpu.memory_space<vmem>> -> memref<1x128x64xf32, #tpu.memory_space<vmem>>
      %dma_start3A_710 = tpu.memref_squeeze %dma_start3A_709 : memref<1x128x64xf32, #tpu.memory_space<vmem>> -> memref<128x64xf32, #tpu.memory_space<vmem>>
      %dma_start3A_711 = arith.constant 0 : i32
      %dma_start3A_712 = tpu.memref_slice %arg5[%add3A_701, %dma_start3A_711] : memref<64x128xi32, #tpu.memory_space<vmem>> -> memref<1x128xi32, #tpu.memory_space<vmem>>
      %dma_start3A_713 = tpu.memref_squeeze %dma_start3A_712 : memref<1x128xi32, #tpu.memory_space<vmem>> -> memref<128xi32, #tpu.memory_space<vmem>>
      %dma_start3A_714 = arith.constant 0 : i32
      %dma_start3A_715 = arith.constant 0 : i32
      %dma_start3A_716 = tpu.memref_slice %arg3[%dma_start3A_714, %dma_start3A_715] : memref<8192x64xf32, #tpu.memory_space<hbm>> -> memref<8192x64xf32, #tpu.memory_space<hbm>>
      tpu.enqueue_indirect_dma source(%dma_start3A_716 : memref<8192x64xf32, #tpu.memory_space<hbm>>) target(%dma_start3A_710 : memref<128x64xf32, #tpu.memory_space<vmem>>) offsets(%dma_start3A_713 : memref<128xi32, #tpu.memory_space<vmem>>) semaphore(%arg10 : memref<!tpu.dma_semaphore, #tpu.memory_space<semaphore_mem>>)
      %dma_start3A_717 = arith.constant 3 : i32
      %dma_start3A_718 = arith.constant 128 : i32
      %dma_start3A_719 = arith.constant 0 : i32
      %dma_start3A_720 = tpu.memref_slice %arg6[%dma_start3A_717, %dma_start3A_718, %dma_start3A_719] : memref<4x256x64xf32, #tpu.memory_space<vmem>> -> memref<1x128x64xf32, #tpu.memory_space<vmem>>
      %dma_start3A_721 = tpu.memref_squeeze %dma_start3A_720 : memref<1x128x64xf32, #tpu.memory_space<vmem>> -> memref<128x64xf32, #tpu.memory_space<vmem>>
      %dma_start3A_722 = arith.constant 0 : i32
      %dma_start3A_723 = tpu.memref_slice %arg5[%add3A_705, %dma_start3A_722] : memref<64x128xi32, #tpu.memory_space<vmem>> -> memref<1x128xi32, #tpu.memory_space<vmem>>
      %dma_start3A_724 = tpu.memref_squeeze %dma_start3A_723 : memref<1x128xi32, #tpu.memory_space<vmem>> -> memref<128xi32, #tpu.memory_space<vmem>>
      %dma_start3A_725 = arith.constant 0 : i32
      %dma_start3A_726 = arith.constant 0 : i32
      %dma_start3A_727 = tpu.memref_slice %arg3[%dma_start3A_725, %dma_start3A_726] : memref<8192x64xf32, #tpu.memory_space<hbm>> -> memref<8192x64xf32, #tpu.memory_space<hbm>>
      tpu.enqueue_indirect_dma source(%dma_start3A_727 : memref<8192x64xf32, #tpu.memory_space<hbm>>) target(%dma_start3A_721 : memref<128x64xf32, #tpu.memory_space<vmem>>) offsets(%dma_start3A_724 : memref<128xi32, #tpu.memory_space<vmem>>) semaphore(%arg10 : memref<!tpu.dma_semaphore, #tpu.memory_space<semaphore_mem>>)
    }
    %scan3A_181 = arith.constant 7 : i32
    %dma_wait3A_182 = arith.constant 60 : i32
    %dma_wait3A_183 = arith.constant 2 : i32
    %dma_wait3A_184 = arith.constant 0 : i32
    %dma_wait3A_185 = arith.constant 0 : i32
    %dma_wait3A_186 = tpu.memref_slice %arg6[%dma_wait3A_183, %dma_wait3A_184, %dma_wait3A_185] : memref<4x256x64xf32, #tpu.memory_space<vmem>> -> memref<1x128x64xf32, #tpu.memory_space<vmem>>
    %dma_wait3A_187 = tpu.memref_squeeze %dma_wait3A_186 : memref<1x128x64xf32, #tpu.memory_space<vmem>> -> memref<128x64xf32, #tpu.memory_space<vmem>>
    %dma_wait3A_188 = arith.constant 0 : i32
    %dma_wait3A_189 = tpu.memref_slice %arg5[%dma_wait3A_182, %dma_wait3A_188] : memref<64x128xi32, #tpu.memory_space<vmem>> -> memref<1x128xi32, #tpu.memory_space<vmem>>
    %dma_wait3A_190 = tpu.memref_squeeze %dma_wait3A_189 : memref<1x128xi32, #tpu.memory_space<vmem>> -> memref<128xi32, #tpu.memory_space<vmem>>
    %dma_wait3A_191 = arith.constant 0 : i32
    %dma_wait3A_192 = arith.constant 0 : i32
    %dma_wait3A_193 = tpu.memref_slice %arg3[%dma_wait3A_191, %dma_wait3A_192] : memref<8192x64xf32, #tpu.memory_space<hbm>> -> memref<8192x64xf32, #tpu.memory_space<hbm>>
    tpu.wait_indirect_dma semaphore(%arg9 : memref<!tpu.dma_semaphore, #tpu.memory_space<semaphore_mem>>) src(%dma_wait3A_193 : memref<8192x64xf32, #tpu.memory_space<hbm>>) dst(%dma_wait3A_187 : memref<128x64xf32, #tpu.memory_space<vmem>>)
    %dma_wait3A_194 = arith.constant 61 : i32
    %dma_wait3A_195 = arith.constant 2 : i32
    %dma_wait3A_196 = arith.constant 128 : i32
    %dma_wait3A_197 = arith.constant 0 : i32
    %dma_wait3A_198 = tpu.memref_slice %arg6[%dma_wait3A_195, %dma_wait3A_196, %dma_wait3A_197] : memref<4x256x64xf32, #tpu.memory_space<vmem>> -> memref<1x128x64xf32, #tpu.memory_space<vmem>>
    %dma_wait3A_199 = tpu.memref_squeeze %dma_wait3A_198 : memref<1x128x64xf32, #tpu.memory_space<vmem>> -> memref<128x64xf32, #tpu.memory_space<vmem>>
    %dma_wait3A_200 = arith.constant 0 : i32
    %dma_wait3A_201 = tpu.memref_slice %arg5[%dma_wait3A_194, %dma_wait3A_200] : memref<64x128xi32, #tpu.memory_space<vmem>> -> memref<1x128xi32, #tpu.memory_space<vmem>>
    %dma_wait3A_202 = tpu.memref_squeeze %dma_wait3A_201 : memref<1x128xi32, #tpu.memory_space<vmem>> -> memref<128xi32, #tpu.memory_space<vmem>>
    %dma_wait3A_203 = arith.constant 0 : i32
    %dma_wait3A_204 = arith.constant 0 : i32
    %dma_wait3A_205 = tpu.memref_slice %arg3[%dma_wait3A_203, %dma_wait3A_204] : memref<8192x64xf32, #tpu.memory_space<hbm>> -> memref<8192x64xf32, #tpu.memory_space<hbm>>
    tpu.wait_indirect_dma semaphore(%arg9 : memref<!tpu.dma_semaphore, #tpu.memory_space<semaphore_mem>>) src(%dma_wait3A_205 : memref<8192x64xf32, #tpu.memory_space<hbm>>) dst(%dma_wait3A_199 : memref<128x64xf32, #tpu.memory_space<vmem>>)
    %add3A_206 = arith.constant 7680 : i32
    %add3A_207 = arith.addi %mul3A_2, %add3A_206 : i32
    %dma_start3A_208 = arith.constant 2 : i32
    %dma_start3A_209 = arith.constant 0 : i32
    %dma_start3A_210 = arith.constant 0 : i32
    %dma_start3A_211 = tpu.memref_slice %arg6[%dma_start3A_208, %dma_start3A_209, %dma_start3A_210] : memref<4x256x64xf32, #tpu.memory_space<vmem>> -> memref<1x256x64xf32, #tpu.memory_space<vmem>>
    %dma_start3A_212 = tpu.memref_squeeze %dma_start3A_211 : memref<1x256x64xf32, #tpu.memory_space<vmem>> -> memref<256x64xf32, #tpu.memory_space<vmem>>
    %dma_start3A_213 = arith.constant 0 : i32
    %dma_start3A_214 = tpu.memref_slice %arg4[%add3A_207, %dma_start3A_213] : memref<262144x64xf32, #tpu.memory_space<hbm>> -> memref<256x64xf32, #tpu.memory_space<hbm>>
    %dma_start3A_215 = arith.constant 0 : i32
    %dma_start3A_216 = tpu.memref_slice %arg4[%add3A_207, %dma_start3A_215] : memref<262144x64xf32, #tpu.memory_space<hbm>> -> memref<256x64xf32, #tpu.memory_space<hbm>>
    %dma_start3A_217 = arith.constant 0 : i32
    %dma_start3A_218 = arith.constant 0 : i32
    %dma_start3A_219 = tpu.memref_slice %arg6[%dma_start3A_208, %dma_start3A_217, %dma_start3A_218] : memref<4x256x64xf32, #tpu.memory_space<vmem>> -> memref<1x256x64xf32, #tpu.memory_space<vmem>>
    %dma_start3A_220 = tpu.memref_squeeze %dma_start3A_219 : memref<1x256x64xf32, #tpu.memory_space<vmem>> -> memref<256x64xf32, #tpu.memory_space<vmem>>
    tpu.enqueue_dma source(%dma_start3A_220 : memref<256x64xf32, #tpu.memory_space<vmem>>) target(%dma_start3A_216 : memref<256x64xf32, #tpu.memory_space<hbm>>) target_semaphore(%arg13 : memref<!tpu.dma_semaphore, #tpu.memory_space<semaphore_mem>>)
    %add3A_221 = arith.constant 7168 : i32
    %add3A_222 = arith.addi %mul3A_2, %add3A_221 : i32
    %dma_wait3A_223 = arith.constant 0 : i32
    %dma_wait3A_224 = arith.constant 0 : i32
    %dma_wait3A_225 = arith.constant 0 : i32
    %dma_wait3A_226 = tpu.memref_slice %arg6[%dma_wait3A_223, %dma_wait3A_224, %dma_wait3A_225] : memref<4x256x64xf32, #tpu.memory_space<vmem>> -> memref<1x256x64xf32, #tpu.memory_space<vmem>>
    %dma_wait3A_227 = tpu.memref_squeeze %dma_wait3A_226 : memref<1x256x64xf32, #tpu.memory_space<vmem>> -> memref<256x64xf32, #tpu.memory_space<vmem>>
    %dma_wait3A_228 = arith.constant 0 : i32
    %dma_wait3A_229 = tpu.memref_slice %arg4[%add3A_222, %dma_wait3A_228] : memref<262144x64xf32, #tpu.memory_space<hbm>> -> memref<256x64xf32, #tpu.memory_space<hbm>>
    %dma_wait3A_230 = arith.constant 0 : i32
    %dma_wait3A_231 = tpu.memref_slice %arg4[%add3A_222, %dma_wait3A_230] : memref<262144x64xf32, #tpu.memory_space<hbm>> -> memref<256x64xf32, #tpu.memory_space<hbm>>
    %dma_wait3A_232 = arith.constant 0 : i32
    %dma_wait3A_233 = arith.constant 0 : i32
    %dma_wait3A_234 = tpu.memref_slice %arg6[%dma_wait3A_223, %dma_wait3A_232, %dma_wait3A_233] : memref<4x256x64xf32, #tpu.memory_space<vmem>> -> memref<1x256x64xf32, #tpu.memory_space<vmem>>
    %dma_wait3A_235 = tpu.memref_squeeze %dma_wait3A_234 : memref<1x256x64xf32, #tpu.memory_space<vmem>> -> memref<256x64xf32, #tpu.memory_space<vmem>>
    tpu.wait_dma2 semaphore(%arg11 : memref<!tpu.dma_semaphore, #tpu.memory_space<semaphore_mem>>) src(%dma_wait3A_235 : memref<256x64xf32, #tpu.memory_space<vmem>>) dst(%dma_wait3A_231 : memref<256x64xf32, #tpu.memory_space<hbm>>)
    %dma_wait3A_236 = arith.constant 62 : i32
    %dma_wait3A_237 = arith.constant 3 : i32
    %dma_wait3A_238 = arith.constant 0 : i32
    %dma_wait3A_239 = arith.constant 0 : i32
    %dma_wait3A_240 = tpu.memref_slice %arg6[%dma_wait3A_237, %dma_wait3A_238, %dma_wait3A_239] : memref<4x256x64xf32, #tpu.memory_space<vmem>> -> memref<1x128x64xf32, #tpu.memory_space<vmem>>
    %dma_wait3A_241 = tpu.memref_squeeze %dma_wait3A_240 : memref<1x128x64xf32, #tpu.memory_space<vmem>> -> memref<128x64xf32, #tpu.memory_space<vmem>>
    %dma_wait3A_242 = arith.constant 0 : i32
    %dma_wait3A_243 = tpu.memref_slice %arg5[%dma_wait3A_236, %dma_wait3A_242] : memref<64x128xi32, #tpu.memory_space<vmem>> -> memref<1x128xi32, #tpu.memory_space<vmem>>
    %dma_wait3A_244 = tpu.memref_squeeze %dma_wait3A_243 : memref<1x128xi32, #tpu.memory_space<vmem>> -> memref<128xi32, #tpu.memory_space<vmem>>
    %dma_wait3A_245 = arith.constant 0 : i32
    %dma_wait3A_246 = arith.constant 0 : i32
    %dma_wait3A_247 = tpu.memref_slice %arg3[%dma_wait3A_245, %dma_wait3A_246] : memref<8192x64xf32, #tpu.memory_space<hbm>> -> memref<8192x64xf32, #tpu.memory_space<hbm>>
    tpu.wait_indirect_dma semaphore(%arg10 : memref<!tpu.dma_semaphore, #tpu.memory_space<semaphore_mem>>) src(%dma_wait3A_247 : memref<8192x64xf32, #tpu.memory_space<hbm>>) dst(%dma_wait3A_241 : memref<128x64xf32, #tpu.memory_space<vmem>>)
    %dma_wait3A_248 = arith.constant 63 : i32
    %dma_wait3A_249 = arith.constant 3 : i32
    %dma_wait3A_250 = arith.constant 128 : i32
    %dma_wait3A_251 = arith.constant 0 : i32
    %dma_wait3A_252 = tpu.memref_slice %arg6[%dma_wait3A_249, %dma_wait3A_250, %dma_wait3A_251] : memref<4x256x64xf32, #tpu.memory_space<vmem>> -> memref<1x128x64xf32, #tpu.memory_space<vmem>>
    %dma_wait3A_253 = tpu.memref_squeeze %dma_wait3A_252 : memref<1x128x64xf32, #tpu.memory_space<vmem>> -> memref<128x64xf32, #tpu.memory_space<vmem>>
    %dma_wait3A_254 = arith.constant 0 : i32
    %dma_wait3A_255 = tpu.memref_slice %arg5[%dma_wait3A_248, %dma_wait3A_254] : memref<64x128xi32, #tpu.memory_space<vmem>> -> memref<1x128xi32, #tpu.memory_space<vmem>>
    %dma_wait3A_256 = tpu.memref_squeeze %dma_wait3A_255 : memref<1x128xi32, #tpu.memory_space<vmem>> -> memref<128xi32, #tpu.memory_space<vmem>>
    %dma_wait3A_257 = arith.constant 0 : i32
    %dma_wait3A_258 = arith.constant 0 : i32
    %dma_wait3A_259 = tpu.memref_slice %arg3[%dma_wait3A_257, %dma_wait3A_258] : memref<8192x64xf32, #tpu.memory_space<hbm>> -> memref<8192x64xf32, #tpu.memory_space<hbm>>
    tpu.wait_indirect_dma semaphore(%arg10 : memref<!tpu.dma_semaphore, #tpu.memory_space<semaphore_mem>>) src(%dma_wait3A_259 : memref<8192x64xf32, #tpu.memory_space<hbm>>) dst(%dma_wait3A_253 : memref<128x64xf32, #tpu.memory_space<vmem>>)
    %add3A_260 = arith.constant 7936 : i32
    %add3A_261 = arith.addi %mul3A_2, %add3A_260 : i32
    %dma_start3A_262 = arith.constant 3 : i32
    %dma_start3A_263 = arith.constant 0 : i32
    %dma_start3A_264 = arith.constant 0 : i32
    %dma_start3A_265 = tpu.memref_slice %arg6[%dma_start3A_262, %dma_start3A_263, %dma_start3A_264] : memref<4x256x64xf32, #tpu.memory_space<vmem>> -> memref<1x256x64xf32, #tpu.memory_space<vmem>>
    %dma_start3A_266 = tpu.memref_squeeze %dma_start3A_265 : memref<1x256x64xf32, #tpu.memory_space<vmem>> -> memref<256x64xf32, #tpu.memory_space<vmem>>
    %dma_start3A_267 = arith.constant 0 : i32
    %dma_start3A_268 = tpu.memref_slice %arg4[%add3A_261, %dma_start3A_267] : memref<262144x64xf32, #tpu.memory_space<hbm>> -> memref<256x64xf32, #tpu.memory_space<hbm>>
    %dma_start3A_269 = arith.constant 0 : i32
    %dma_start3A_270 = tpu.memref_slice %arg4[%add3A_261, %dma_start3A_269] : memref<262144x64xf32, #tpu.memory_space<hbm>> -> memref<256x64xf32, #tpu.memory_space<hbm>>
    %dma_start3A_271 = arith.constant 0 : i32
    %dma_start3A_272 = arith.constant 0 : i32
    %dma_start3A_273 = tpu.memref_slice %arg6[%dma_start3A_262, %dma_start3A_271, %dma_start3A_272] : memref<4x256x64xf32, #tpu.memory_space<vmem>> -> memref<1x256x64xf32, #tpu.memory_space<vmem>>
    %dma_start3A_274 = tpu.memref_squeeze %dma_start3A_273 : memref<1x256x64xf32, #tpu.memory_space<vmem>> -> memref<256x64xf32, #tpu.memory_space<vmem>>
    tpu.enqueue_dma source(%dma_start3A_274 : memref<256x64xf32, #tpu.memory_space<vmem>>) target(%dma_start3A_270 : memref<256x64xf32, #tpu.memory_space<hbm>>) target_semaphore(%arg14 : memref<!tpu.dma_semaphore, #tpu.memory_space<semaphore_mem>>)
    %add3A_275 = arith.constant 7424 : i32
    %add3A_276 = arith.addi %mul3A_2, %add3A_275 : i32
    %dma_wait3A_277 = arith.constant 1 : i32
    %dma_wait3A_278 = arith.constant 0 : i32
    %dma_wait3A_279 = arith.constant 0 : i32
    %dma_wait3A_280 = tpu.memref_slice %arg6[%dma_wait3A_277, %dma_wait3A_278, %dma_wait3A_279] : memref<4x256x64xf32, #tpu.memory_space<vmem>> -> memref<1x256x64xf32, #tpu.memory_space<vmem>>
    %dma_wait3A_281 = tpu.memref_squeeze %dma_wait3A_280 : memref<1x256x64xf32, #tpu.memory_space<vmem>> -> memref<256x64xf32, #tpu.memory_space<vmem>>
    %dma_wait3A_282 = arith.constant 0 : i32
    %dma_wait3A_283 = tpu.memref_slice %arg4[%add3A_276, %dma_wait3A_282] : memref<262144x64xf32, #tpu.memory_space<hbm>> -> memref<256x64xf32, #tpu.memory_space<hbm>>
    %dma_wait3A_284 = arith.constant 0 : i32
    %dma_wait3A_285 = tpu.memref_slice %arg4[%add3A_276, %dma_wait3A_284] : memref<262144x64xf32, #tpu.memory_space<hbm>> -> memref<256x64xf32, #tpu.memory_space<hbm>>
    %dma_wait3A_286 = arith.constant 0 : i32
    %dma_wait3A_287 = arith.constant 0 : i32
    %dma_wait3A_288 = tpu.memref_slice %arg6[%dma_wait3A_277, %dma_wait3A_286, %dma_wait3A_287] : memref<4x256x64xf32, #tpu.memory_space<vmem>> -> memref<1x256x64xf32, #tpu.memory_space<vmem>>
    %dma_wait3A_289 = tpu.memref_squeeze %dma_wait3A_288 : memref<1x256x64xf32, #tpu.memory_space<vmem>> -> memref<256x64xf32, #tpu.memory_space<vmem>>
    tpu.wait_dma2 semaphore(%arg12 : memref<!tpu.dma_semaphore, #tpu.memory_space<semaphore_mem>>) src(%dma_wait3A_289 : memref<256x64xf32, #tpu.memory_space<vmem>>) dst(%dma_wait3A_285 : memref<256x64xf32, #tpu.memory_space<hbm>>)
    %add3A_290 = arith.constant 7680 : i32
    %add3A_291 = arith.addi %mul3A_2, %add3A_290 : i32
    %dma_wait3A_292 = arith.constant 2 : i32
    %dma_wait3A_293 = arith.constant 0 : i32
    %dma_wait3A_294 = arith.constant 0 : i32
    %dma_wait3A_295 = tpu.memref_slice %arg6[%dma_wait3A_292, %dma_wait3A_293, %dma_wait3A_294] : memref<4x256x64xf32, #tpu.memory_space<vmem>> -> memref<1x256x64xf32, #tpu.memory_space<vmem>>
    %dma_wait3A_296 = tpu.memref_squeeze %dma_wait3A_295 : memref<1x256x64xf32, #tpu.memory_space<vmem>> -> memref<256x64xf32, #tpu.memory_space<vmem>>
    %dma_wait3A_297 = arith.constant 0 : i32
    %dma_wait3A_298 = tpu.memref_slice %arg4[%add3A_291, %dma_wait3A_297] : memref<262144x64xf32, #tpu.memory_space<hbm>> -> memref<256x64xf32, #tpu.memory_space<hbm>>
    %dma_wait3A_299 = arith.constant 0 : i32
    %dma_wait3A_300 = tpu.memref_slice %arg4[%add3A_291, %dma_wait3A_299] : memref<262144x64xf32, #tpu.memory_space<hbm>> -> memref<256x64xf32, #tpu.memory_space<hbm>>
    %dma_wait3A_301 = arith.constant 0 : i32
    %dma_wait3A_302 = arith.constant 0 : i32
    %dma_wait3A_303 = tpu.memref_slice %arg6[%dma_wait3A_292, %dma_wait3A_301, %dma_wait3A_302] : memref<4x256x64xf32, #tpu.memory_space<vmem>> -> memref<1x256x64xf32, #tpu.memory_space<vmem>>
    %dma_wait3A_304 = tpu.memref_squeeze %dma_wait3A_303 : memref<1x256x64xf32, #tpu.memory_space<vmem>> -> memref<256x64xf32, #tpu.memory_space<vmem>>
    tpu.wait_dma2 semaphore(%arg13 : memref<!tpu.dma_semaphore, #tpu.memory_space<semaphore_mem>>) src(%dma_wait3A_304 : memref<256x64xf32, #tpu.memory_space<vmem>>) dst(%dma_wait3A_300 : memref<256x64xf32, #tpu.memory_space<hbm>>)
    %add3A_305 = arith.constant 7936 : i32
    %add3A_306 = arith.addi %mul3A_2, %add3A_305 : i32
    %dma_wait3A_307 = arith.constant 3 : i32
    %dma_wait3A_308 = arith.constant 0 : i32
    %dma_wait3A_309 = arith.constant 0 : i32
    %dma_wait3A_310 = tpu.memref_slice %arg6[%dma_wait3A_307, %dma_wait3A_308, %dma_wait3A_309] : memref<4x256x64xf32, #tpu.memory_space<vmem>> -> memref<1x256x64xf32, #tpu.memory_space<vmem>>
    %dma_wait3A_311 = tpu.memref_squeeze %dma_wait3A_310 : memref<1x256x64xf32, #tpu.memory_space<vmem>> -> memref<256x64xf32, #tpu.memory_space<vmem>>
    %dma_wait3A_312 = arith.constant 0 : i32
    %dma_wait3A_313 = tpu.memref_slice %arg4[%add3A_306, %dma_wait3A_312] : memref<262144x64xf32, #tpu.memory_space<hbm>> -> memref<256x64xf32, #tpu.memory_space<hbm>>
    %dma_wait3A_314 = arith.constant 0 : i32
    %dma_wait3A_315 = tpu.memref_slice %arg4[%add3A_306, %dma_wait3A_314] : memref<262144x64xf32, #tpu.memory_space<hbm>> -> memref<256x64xf32, #tpu.memory_space<hbm>>
    %dma_wait3A_316 = arith.constant 0 : i32
    %dma_wait3A_317 = arith.constant 0 : i32
    %dma_wait3A_318 = tpu.memref_slice %arg6[%dma_wait3A_307, %dma_wait3A_316, %dma_wait3A_317] : memref<4x256x64xf32, #tpu.memory_space<vmem>> -> memref<1x256x64xf32, #tpu.memory_space<vmem>>
    %dma_wait3A_319 = tpu.memref_squeeze %dma_wait3A_318 : memref<1x256x64xf32, #tpu.memory_space<vmem>> -> memref<256x64xf32, #tpu.memory_space<vmem>>
    tpu.wait_dma2 semaphore(%arg14 : memref<!tpu.dma_semaphore, #tpu.memory_space<semaphore_mem>>) src(%dma_wait3A_319 : memref<256x64xf32, #tpu.memory_space<vmem>>) dst(%dma_wait3A_315 : memref<256x64xf32, #tpu.memory_space<hbm>>)
    return
  }
}

</mosaic_0001>

<sc_bundles>
// kernel: kernel.3.cloned.1.call-start
scs
__scs_entry_jumppad:
0x0: {  	(pc) =	sbr.rel $0x88, $3  }
0x1: {  	(tag) =	ssettag $0x0;
	lr =	simm.s32 $0x1  }
0x2: {  	[smem:$0x3F9F] =	sst lr;
	_ =	strace $0xD0000000  }
0x3: {  	_ = 	snop  }
0x4: {  	_ = 	snop  }
0x5: {  	_ = 	snop  }
0x6: {  	_ = 	snop  }
0x7: {  	_ = 	snop  }
__scs_overlays_trampoline_lowered:
0x8: {  	[smem:$0x3FAE] =	sst s0  }
0x9: {  	[smem:$0x3FAF] =	sst s1  }
0xa: {  	[smem:$0x3FB0] =	sst s2  }
0xb: {  	[smem:$0x3FB1] =	sst s3  }
0xc: {  	[smem:$0x3FB2] =	sst s4  }
0xd: {  	[smem:$0x3FB3] =	sst s5  }
0xe: {  	[smem:$0x3FB4] =	sst s6  }
0xf: {  	[smem:$0x3FB5] =	sst s7  }
0x10: {  	[smem:$0x3FB6] =	sst s8  }
0x11: {  	[smem:$0x3FB7] =	sst s9;
	s0 =	simm.s32 @!p0 $0x0  }
0x12: {  	s1 =	sld [smem:$0x3F9D];
	s0 =	simm.s32 @p0 $0x1  }
0x13: {  	[smem:$0x3FB8] =	sst s0;
	s0 =	simm.s32 @!p1 $0x0  }
0x14: {  	s2 =	sld [smem:$0x3F9C];
	s0 =	simm.s32 @p1 $0x1  }
0x15: {  	[smem:$0x3FB9] =	sst s0;
	s0 =	simm.s32 @!p2 $0x0  }
0x16: {  	s3 =	sld [smem:$0x3FDB];
	s0 =	simm.s32 @p2 $0x1  }
0x17: {  	s4 =	simm.s32 $0x1BF5;
	[smem:$0x3FBB] =	sst s0  }
0x18: {  	s0 =	sld [smem:$0x3F9E];
	_ =	swait.ge [sflag:s4], $0x0  }
0x19: {  	s7 =	sld [smem:$0x3F9F]  }
0x1a: {  	s8 =	sadd.s32 $0xFFFFE003, lr  }
0x1b: {  	s9 =	sadd.s32 $0xFFFFFEF7, lr;
	s5 =	simm.s32 $0xFFFFFFFF;
	p2 =	slt.u32 s8, $0xFFFFF086  }
0x1c: {  	p1 =	slt.u32 s9, $0xF7A;
	s5 =	simm.s32 @!p2 $0x0  }
0x1d: {  	s5 =	simm.s32 @p1 $0x1;
	p0 =	seq.s32 s7, s2  }
0x1e: {  	s7 =	smul.u32 @!p0 $0xF7A, s2;
	p2 =	seq.s32 @!p0 s5, $0x0  }
0x1f: {  	s9 =	smul.u32 $0xF7A, s1;
	s8 =	simm.s32 @!p0 $0x1BF5;
	p2 =	por !p2, p0  }
0x20: {  	[sflag:s8] =	ssyncset.s32 @!p0 $0xFFFFF086;
	s6 =	sadd.s32 @!p0 s3, s7;
	s7 =	simm.s32 @!p0 $0x108  }
0x21: {  	s3 =	sadd.s32 s3, s9;
	s6 =	sadd.s32 @!p0 $0x88, s6;
	s7 =	simm.s32 @p2 $0x1082  }
0x22: {  	[simem:s7], [sflag:s8] =	dma.local @!p0 [hbm:s6], $0xF7A  }
0x23: {  	s9 =	sor.u32 $0xD0000000, s2;
	s6 =	simm.s32 $0x108;
	_ =	swait.ge @!p0 [sflag:s8], $0x0  }
0x24: {  	s3 =	sadd.s32 $0x88, s3;
	s6 =	simm.s32 @!p1 $0x1082;
	[sflag:s4] =	ssyncset.s32 $0xFFFFF086  }
0x25: {  	[simem:s6], [sflag:s4] =	dma.local [hbm:s3], $0xF7A  }
0x26: {  	[smem:$0x3F9F] =	sst s1;
	(tag) =	ssettag s2;
	_ =	strace s9  }
0x27: {  	s1 =	sld [smem:$0x3FAF]  }
0x28: {  	s2 =	sld [smem:$0x3FB0]  }
0x29: {  	s4 =	sld [smem:$0x3FB2]  }
0x2a: {  	p0 =	seq.s32 s5, $0x0;
	s5 =	sld [smem:$0x3FB3]  }
0x2b: {  	s6 =	sld [smem:$0x3FB4]  }
0x2c: {  	s7 =	sld [smem:$0x3FB5]  }
0x2d: {  	s3 =	simm.s32 $0x108;
	s8 =	sld [smem:$0x3FB6]  }
0x2e: {  	s3 =	simm.s32 @!p0 $0x1082;
	s9 =	sld [smem:$0x3FB7]  }
0x2f: {  	lr =	sadd.s32 s0, s3;
	s0 =	sld [smem:$0x3FAE]  }
0x30: {  	s3 =	sld [smem:$0x3FB1]  }
0x31: {  	[smem:$0x3FBA] =	sst s10  }
0x32: {  	s10 =	sld [smem:$0x3FB8];
	_ =	sdelay $0x3  }
0x33: {  	p0 =	seq.s32 s10, $0x1;
	s10 =	sld [smem:$0x3FBA];
	_ =	sdelay $0x3  }
0x34: {  	[smem:$0x3FBA] =	sst s10  }
0x35: {  	s10 =	sld [smem:$0x3FB9];
	_ =	sdelay $0x3  }
0x36: {  	p1 =	seq.s32 s10, $0x1;
	s10 =	sld [smem:$0x3FBA];
	_ =	sdelay $0x3  }
0x37: {  	[smem:$0x3FBA] =	sst s10  }
0x38: {  	s10 =	sld [smem:$0x3FBB]  }
0x39: {  	_ = 	snop;
	(pc) =	sbr.ind lr, $3  }
0x3a: {  	_ = 	snop  }
0x3b: {  	_ = 	snop  }
0x3c: {  	p2 =	seq.s32 s10, $0x1;
	s10 =	sld [smem:$0x3FBA]  }
0x3d: {  	_ =	shalt  }
0x3e: {  	_ =	shalt  }
0x3f: {  	_ =	shalt  }
0x40: {  	_ =	shalt  }
0x41: {  	_ =	shalt  }
0x42: {  	_ =	shalt  }
0x43: {  	_ =	shalt  }
0x44: {  	_ =	shalt  }
0x45: {  	_ =	shalt  }
0x46: {  	_ =	shalt  }
0x47: {  	_ =	shalt  }
0x48: {  	_ =	shalt  }
0x49: {  	_ =	shalt  }
0x4a: {  	_ =	shalt  }
0x4b: {  	_ =	shalt  }
0x4c: {  	_ =	shalt  }
0x4d: {  	_ =	shalt  }
0x4e: {  	_ =	shalt  }
0x4f: {  	_ =	shalt  }
0x50: {  	_ =	shalt  }
0x51: {  	_ =	shalt  }
0x52: {  	_ =	shalt  }
0x53: {  	_ =	shalt  }
0x54: {  	_ =	shalt  }
0x55: {  	_ =	shalt  }
0x56: {  	_ =	shalt  }
0x57: {  	_ =	shalt  }
0x58: {  	_ =	shalt  }
0x59: {  	_ =	shalt  }
0x5a: {  	_ =	shalt  }
0x5b: {  	_ =	shalt  }
0x5c: {  	_ =	shalt  }
0x5d: {  	_ =	shalt  }
0x5e: {  	_ =	shalt  }
0x5f: {  	_ =	shalt  }
0x60: {  	_ =	shalt  }
0x61: {  	_ =	shalt  }
0x62: {  	_ =	shalt  }
0x63: {  	_ =	shalt  }
0x64: {  	_ =	shalt  }
0x65: {  	_ =	shalt  }
0x66: {  	_ =	shalt  }
0x67: {  	_ =	shalt  }
0x68: {  	_ =	shalt  }
0x69: {  	_ =	shalt  }
0x6a: {  	_ =	shalt  }
0x6b: {  	_ =	shalt  }
0x6c: {  	_ =	shalt  }
0x6d: {  	_ =	shalt  }
0x6e: {  	_ =	shalt  }
0x6f: {  	_ =	shalt  }
0x70: {  	_ =	shalt  }
0x71: {  	_ =	shalt  }
0x72: {  	_ =	shalt  }
0x73: {  	_ =	shalt  }
0x74: {  	_ =	shalt  }
0x75: {  	_ =	shalt  }
0x76: {  	_ =	shalt  }
0x77: {  	_ =	shalt  }
0x78: {  	_ =	shalt  }
0x79: {  	_ =	shalt  }
0x7a: {  	_ =	shalt  }
0x7b: {  	_ =	shalt  }
0x7c: {  	_ =	shalt  }
0x7d: {  	_ =	shalt  }
0x7e: {  	_ =	shalt  }
0x7f: {  	_ =	shalt  }
0x80: {  	_ =	shalt  }
0x81: {  	_ =	shalt  }
0x82: {  	_ =	shalt  }
0x83: {  	_ =	shalt  }
0x84: {  	_ =	shalt  }
0x85: {  	_ =	shalt  }
0x86: {  	_ =	shalt  }
0x87: {  	_ =	shalt  }
.Lfunc_end0:
.L_simem_size_0:
called_computation_lowered:
.L_overlay_start_0:
0x88: {  	s2 =	sld [smem:$0x3FD9]  }
0x89: {  	s3 =	sld [smem:$0x3FFE];
	_ =	sdelay $0x1  }
0x8a: {  	s1 =	srdreg.scid  }
0x8b: {  	s0 =	sand.u32 $0x1, s1  }
0x8c: {  	s17 =	sshll.u32 s0, $0xA;
	s2 =	sadd.s32 s3, s2  }
0x8d: {  	s2 =	sadd.s32 s2, s17  }
0x8e: {  	[smem:$0x3FC6] =	sst s2  }
0x8f: {  	_ = 	snop  }
0x90: {  	s2 =	sld [smem:$0x3FD0];
	(tm) =	ssettm $0x1  }
0x91: {  	s18 =	sld [smem:$0x3FFB];
	_ =	sdelay $0x3  }
0x92: {  	_ =	strace s18  }
0x93: {  	s3 =	sld [smem:$0x3FFC];
	_ =	sdelay $0x3  }
0x94: {  	_ =	strace s3  }
0x95: {  	s3 =	sld [smem:$0x3FFD];
	_ =	sdelay $0x3  }
0x96: {  	_ =	strace s3  }
0x97: {  	_ =	strace $0x8FFFFFFF  }
0x98: {  	s19 =	sld [smem:$0x3FDB];
	_ =	sdelay $0x1  }
0x99: {  	s4 =	simm.s32 $_scs_section_size  }
0x9a: {  	s5 =	simm.s32 $_size__tile_overlayer_lowered;
	s6 =	simm.s32 $_tile_overlayer_lowered  }
0x9b: {  	s22 =	simm.s32 $0x1BFF;
	s21 =	sshll.u32 s6, $0x1;
	s3 =	sadd.s32 s4, s19  }
0x9c: {  	s7 =	simm.s32 $0x0;
	s20 =	sshll.u32 s5, $0x1;
	s5 =	sadd.s32 s21, s3  }
0x9d: {  	[timem:s7], [sflag:s22] =	dma.local [hbm:s5], s20  }
0x9e: {  	_ =	swait.ge [sflag:s22], s20  }
0x9f: {  	s4 =	ssub.s32 $0x0, s20;
	[sflag:s22] =	ssyncset.done $0x0  }
0xa0: {  	[sflag:s22] =	ssyncadd.s32 s4;
	_ =	sdelay $0x1  }
0xa1: {  	s23 =	simm.s32 $0x1B8B  }
0xa2: {  	_ =	swait.ge [sflag:s23], $0x1  }
0xa3: {  	[sflag:s23] =	ssyncset.done $0x0  }
0xa4: {  	s25 =	simm.s32 $0x1B8E;
	s24 =	sld [smem:$0x3FFE];
	[sflag:s23] =	ssyncadd.s32 $0xFFFFFFFF  }
0xa5: {  	s26 =	simm.s32 $execute0_lowered;
	[smem:$0x3FD2] =	sst s25  }
0xa6: {  	s5 =	sshll.u32 s26, $0x1;
	_ =	strace $0x80000046;
	[dreg:$0x1] =	wrdreg $0xFFFFFFFF  }
0xa7: {  	s28 =	simm.s32 $_size_execute0_lowered;
	s3 =	sadd.s32 s3, s5;
	[dreg:$0x0] =	wrdreg $0x0  }
0xa8: {  	s5 =	sshll.u32 s28, $0x1;
	[dreg:$0x2] =	wrdreg s3  }
0xa9: {  	[dreg:$0x3] =	wrdreg s5  }
0xaa: {  	[dreg:$0x4] =	wrdreg $0xC0  }
0xab: {  	_ =	task [dreg:s7], $0x5FFFF  }
0xac: {  	[dreg:$0x1] =	wrdreg $0xFFFFFFFF  }
0xad: {  	[dreg:$0x0] =	wrdreg $0x60  }
0xae: {  	[dreg:$0x2] =	wrdreg s24  }
0xaf: {  	[dreg:$0x3] =	wrdreg s2  }
0xb0: {  	[dreg:$0x4] =	wrdreg $0x9  }
0xb1: {  	_ =	task.clear_ibuf [dreg:s7], $0x5FFFF;
	_ =	strace $0x90000046  }
0xb2: {  	s29 =	simm.s32 $0x9;
	_ =	strace $0x80000048  }
0xb3: {  	_ =	swait.ge [sflag:s29], $0x1  }
0xb4: {  	[sflag:s29] =	ssyncadd.s32 $0xFFFFFFFF  }
0xb5: {  	_ =	strace $0x90000048  }
0xb6: {  	_ =	sfence  }
0xb7: {  	s30 =	sld [smem:$0x0];
	_ =	sdelay $0x2  }
0xb8: {  	s31 =	sshll.u32 s1, $0xD;
	s1 =	sshrl.u32 s1, $0x2  }
0xb9: {  	s3 =	sand.u32 $0x4000, s31;
	s1 =	sadd.s32 s1, s30  }
0xba: {  	s0 =	sor.u32 s3, s0;
	s1 =	sshll.u32 s1, $0x11  }
0xbb: {  	s0 =	sor.u32 s1, s0  }
0xbc: {  	s0 =	sadd.s32 $0x8F2B, s0  }
0xbd: {  	[sflag:s0] =	ssyncadd.remote.s32 $0x1  }
0xbe: {  	_ =	sfence.sel $0xFFFF  }
0xbf: {  	[dreg:$0x0] =	wrdreg $0xFFFFFFFF;
	(pc) =	sbr.abs _section_cstart, $3  }
0xc0: {  	[dreg:$0x1] =	wrdreg $0xFFFFFFFF  }
0xc1: {  	_ =	task.clear_ibuf [dreg:s7], $0x2FFFF;
	_ =	strace $0x9FFFFFFF  }
0xc2: {  	(tm) =	ssettm $0x7FFFFFFF  }
0xc3: {  	_ =	shalt  }
tec
execute0_lowered:
.L_overlay_start_1:
0x0: {  	(tag) =	ssettag $0x1  }
0x1: {  	s0 =	rddreg [dreg:$0x0]  }
0x2: {  	s2 =	rddreg [dreg:$0x1]  }
0x3: {  	s1 =	srdreg.scid;
	s8 =	stileid.u32;
	s3 =	simm.s32 $0x0  }
0x4: {  	s13 =	simm.s32 $0x9;
	s14 =	simm.s32 $0x80;
	s15 =	simm.s32 $0x2000  }
0x5: {  	s16 =	simm.s32 $0x4000;
	s18 =	simm.s32 $0x6000;
	s20 =	simm.s32 $0x8000  }
0x6: {  	s29 =	simm.s32 $0x10000;
	s30 =	simm.s32 $0x1;
	s31 =	simm.s32 $0x2  }
0x7: {  	s17 =	simm.s32 $0x4;
	s19 =	simm.s32 $0x6;
	s21 =	simm.s32 $0x7  }
0x8: {  	s1 =	sand.u32 $0x1, s1;
	s4 =	sshll.u32 s8, $0x1;
	[smem:$0x7FF] =	sst s3  }
0x9: {  	s22 =	sshll.u32 s8, $0x11;
	s4 =	sor.u32 s1, s4;
	_ =	strace $0x80000047  }
0xa: {  	s6 =	ssub.s32 $0x2, s1;
	s1 =	sshll.u32 s1, $0x10;
	s5 =	sshll.u32 s4, $0xA  }
0xb: {  	s7 =	sshrl.u32 s6, $0x1;
	s4 =	sshll.u32 s4, $0x10;
	s25 =	sor.u32 s1, s22  }
0xc: {  	s5 =	sadd.s32 s5, s0;
	s0 =	sadd.s32 $0x8400, s0;
	s6 =	ssub.s32 s6, s7  }
0xd: {  	s5 =	sadd.s32 $0x400, s5;
	s7 =	sadd.s32 s25, s0;
	s28 =	smax.u32 s6, $0x1  }
0xe: {  	s25 =	simm.s32 $0x0;
	[dreg:$0x3] =	wrdreg s5;
	s5 =	sadd.s32 s0, s4  }
0xf: {  	s0 =	sadd.s32 s22, s0;
	[dreg:$0x7] =	wrdreg s28;
	s10 =	sadd.s32 $0x1800, s7  }
0x10: {  	s11 =	sadd.s32 $0x1000, s7;
	s22 =	simm.s32 $0xA000;
	s23 =	sadd.s32 $0x800, s5  }
0x11: {  	s24 =	sadd.s32 $0xF000, s5;
	s26 =	sadd.s32 $0xF800, s5;
	[dreg:$0x4] =	wrdreg s23  }
0x12: {  	s0 =	sadd.s32 s1, s0;
	s1 =	simm.s32 $0x5;
	[dreg:$0x5] =	wrdreg s24  }
0x13: {  	[dreg:$0x6] =	wrdreg s26;
	s12 =	sadd.s32 $0x2000, s0;
	s24 =	simm.s32 $0xC000  }
0x14: {  	s26 =	simm.s32 $0xE000;
	s0 =	simm.s32 $0x3;
	s23 =	simm.s32 $0x8  }
.LBB2_1:
0x15: {  	s4 =	rddreg [dreg:$0x3]  }
0x16: {  	[tilespmem:s3], [sflag:$0x9] =	stream.linear.gather [hbm4b:s4+s3], $0x2000, $0x38;
	[tilespmem:$0x12000] =	vst v63  }
0x17: {  	_ =	swait.ge [sflag:s13], $0x2000  }
0x18: {  	[sflag:s13] =	ssyncset.done $0x0  }
0x19: {  	[sflag:s13] =	ssyncadd.s32 $0xFFFFE000  }
0x1a: {  	[tilespmem:s15], [sflag:$0x1] =	stream.indirect.gather [hbm4b:s2+s14], $0x40, s3, s14, $0xb8;
	[tilespmem:$0x12000] =	vst v63  }
0x1b: {  	_ = 	snop  }
0x1c: {  	[tilespmem:s16], [sflag:$0x1] =	stream.indirect.gather [hbm4b:s2+s14], $0x40, s14, s14, $0xb8;
	[tilespmem:$0x12000] =	vst v63  }
0x1d: {  	s7 =	simm.s32 $0x100  }
0x1e: {  	[tilespmem:s18], [sflag:$0x2] =	stream.indirect.gather [hbm4b:s2+s14], $0x40, s7, s14, $0xb8;
	[tilespmem:$0x12000] =	vst v63  }
0x1f: {  	s8 =	simm.s32 $0x180  }
0x20: {  	[tilespmem:s20], [sflag:$0x2] =	stream.indirect.gather [hbm4b:s2+s14], $0x40, s8, s14, $0xb8;
	[tilespmem:$0x12000] =	vst v63  }
0x21: {  	s9 =	simm.s32 $0x200  }
0x22: {  	[tilespmem:s22], [sflag:$0x3] =	stream.indirect.gather [hbm4b:s2+s14], $0x40, s9, s14, $0xb8;
	[tilespmem:$0x12000] =	vst v63  }
0x23: {  	s6 =	simm.s32 $0x280  }
0x24: {  	[tilespmem:s24], [sflag:$0x3] =	stream.indirect.gather [hbm4b:s2+s14], $0x40, s6, s14, $0xb8;
	[tilespmem:$0x12000] =	vst v63  }
0x25: {  	s7 =	simm.s32 $0x300  }
0x26: {  	[tilespmem:s26], [sflag:$0x4] =	stream.indirect.gather [hbm4b:s2+s14], $0x40, s7, s14, $0xb8;
	[tilespmem:$0x12000] =	vst v63  }
0x27: {  	s8 =	simm.s32 $0x380  }
0x28: {  	[tilespmem:s29], [sflag:$0x4] =	stream.indirect.gather [hbm4b:s2+s14], $0x40, s8, s14, $0xb8;
	[tilespmem:$0x12000] =	vst v63  }
0x29: {  	_ =	swait.ge [sflag:s30], $0x2000  }
0x2a: {  	[sflag:s30] =	ssyncset.done $0x0  }
0x2b: {  	[sflag:s30] =	ssyncadd.s32 $0xFFFFE000  }
0x2c: {  	_ =	swait.ge [sflag:s30], $0x2000  }
0x2d: {  	[sflag:s30] =	ssyncset.done $0x0  }
0x2e: {  	[sflag:s30] =	ssyncadd.s32 $0xFFFFE000  }
0x2f: {  	[hbm4b:s5+s3] =	stream.linear.scatter [tilespmem:s15], [sflag:$0x5], $0x4000, $0x38;
	[tilespmem:$0x12000] =	vst v63  }
0x30: {  	_ =	swait.ge [sflag:s31], $0x2000  }
0x31: {  	[sflag:s31] =	ssyncset.done $0x0  }
0x32: {  	[sflag:s31] =	ssyncadd.s32 $0xFFFFE000  }
0x33: {  	_ =	swait.ge [sflag:s31], $0x2000  }
0x34: {  	[sflag:s31] =	ssyncset.done $0x0  }
0x35: {  	s9 =	rddreg [dreg:$0x4];
	[sflag:s31] =	ssyncadd.s32 $0xFFFFE000  }
0x36: {  	[hbm4b:s9+s3] =	stream.linear.scatter [tilespmem:s18], [sflag:$0x6], $0x4000, $0x38;
	[tilespmem:$0x12000] =	vst v63  }
0x37: {  	_ =	swait.ge [sflag:s0], $0x2000  }
0x38: {  	[sflag:s0] =	ssyncset.done $0x0  }
0x39: {  	[sflag:s0] =	ssyncadd.s32 $0xFFFFE000  }
0x3a: {  	_ =	swait.ge [sflag:s0], $0x2000  }
0x3b: {  	[sflag:s0] =	ssyncset.done $0x0  }
0x3c: {  	[sflag:s0] =	ssyncadd.s32 $0xFFFFE000  }
0x3d: {  	[hbm4b:s11+s3] =	stream.linear.scatter [tilespmem:s22], [sflag:$0x7], $0x4000, $0x38;
	[tilespmem:$0x12000] =	vst v63  }
0x3e: {  	_ =	swait.ge [sflag:s1], $0x4000  }
0x3f: {  	[sflag:s1] =	ssyncset.done $0x0  }
0x40: {  	s6 =	simm.s32 $0x400;
	[sflag:s1] =	ssyncadd.s32 $0xFFFFC000  }
0x41: {  	[tilespmem:s15], [sflag:$0x1] =	stream.indirect.gather [hbm4b:s2+s14], $0x40, s6, s14, $0xb8;
	[tilespmem:$0x12000] =	vst v63  }
0x42: {  	s7 =	simm.s32 $0x480  }
0x43: {  	[tilespmem:s16], [sflag:$0x1] =	stream.indirect.gather [hbm4b:s2+s14], $0x40, s7, s14, $0xb8;
	[tilespmem:$0x12000] =	vst v63  }
0x44: {  	_ =	swait.ge [sflag:s17], $0x2000  }
0x45: {  	[sflag:s17] =	ssyncset.done $0x0  }
0x46: {  	[sflag:s17] =	ssyncadd.s32 $0xFFFFE000  }
0x47: {  	_ =	swait.ge [sflag:s17], $0x2000  }
0x48: {  	[sflag:s17] =	ssyncset.done $0x0  }
0x49: {  	[sflag:s17] =	ssyncadd.s32 $0xFFFFE000  }
0x4a: {  	[hbm4b:s10+s3] =	stream.linear.scatter [tilespmem:s26], [sflag:$0x8], $0x4000, $0x38;
	[tilespmem:$0x12000] =	vst v63  }
0x4b: {  	_ =	swait.ge [sflag:s19], $0x4000  }
0x4c: {  	[sflag:s19] =	ssyncset.done $0x0  }
0x4d: {  	s8 =	simm.s32 $0x500;
	[sflag:s19] =	ssyncadd.s32 $0xFFFFC000  }
0x4e: {  	[tilespmem:s18], [sflag:$0x2] =	stream.indirect.gather [hbm4b:s2+s14], $0x40, s8, s14, $0xb8;
	[tilespmem:$0x12000] =	vst v63  }
0x4f: {  	s9 =	simm.s32 $0x580  }
0x50: {  	[tilespmem:s20], [sflag:$0x2] =	stream.indirect.gather [hbm4b:s2+s14], $0x40, s9, s14, $0xb8;
	[tilespmem:$0x12000] =	vst v63  }
0x51: {  	_ =	swait.ge [sflag:s30], $0x2000  }
0x52: {  	[sflag:s30] =	ssyncset.done $0x0  }
0x53: {  	[sflag:s30] =	ssyncadd.s32 $0xFFFFE000  }
0x54: {  	_ =	swait.ge [sflag:s30], $0x2000  }
0x55: {  	[sflag:s30] =	ssyncset.done $0x0  }
0x56: {  	[sflag:s30] =	ssyncadd.s32 $0xFFFFE000  }
0x57: {  	[hbm4b:s12+s3] =	stream.linear.scatter [tilespmem:s15], [sflag:$0x5], $0x4000, $0x38;
	[tilespmem:$0x12000] =	vst v63  }
0x58: {  	_ =	swait.ge [sflag:s21], $0x4000  }
0x59: {  	[sflag:s21] =	ssyncset.done $0x0  }
0x5a: {  	s6 =	simm.s32 $0x600;
	[sflag:s21] =	ssyncadd.s32 $0xFFFFC000  }
0x5b: {  	[tilespmem:s22], [sflag:$0x3] =	stream.indirect.gather [hbm4b:s2+s14], $0x40, s6, s14, $0xb8;
	[tilespmem:$0x12000] =	vst v63  }
0x5c: {  	s7 =	simm.s32 $0x680  }
0x5d: {  	[tilespmem:s24], [sflag:$0x3] =	stream.indirect.gather [hbm4b:s2+s14], $0x40, s7, s14, $0xb8;
	[tilespmem:$0x12000] =	vst v63  }
0x5e: {  	_ =	swait.ge [sflag:s31], $0x2000  }
0x5f: {  	[sflag:s31] =	ssyncset.done $0x0  }
0x60: {  	[sflag:s31] =	ssyncadd.s32 $0xFFFFE000  }
0x61: {  	_ =	swait.ge [sflag:s31], $0x2000  }
0x62: {  	[sflag:s31] =	ssyncset.done $0x0  }
0x63: {  	s8 =	sadd.s32 $0x800, s12;
	[sflag:s31] =	ssyncadd.s32 $0xFFFFE000  }
0x64: {  	[hbm4b:s8+s3] =	stream.linear.scatter [tilespmem:s18], [sflag:$0x6], $0x4000, $0x38;
	[tilespmem:$0x12000] =	vst v63  }
0x65: {  	s28 =	simm.s32 $0x1000;
	s4 =	sadd.s32 $0x2000, s12;
	_ =	swait.ge [sflag:s23], $0x4000  }
0x66: {  	s9 =	simm.s32 $0x700;
	s6 =	sadd.s32 $0x2000, s10;
	[sflag:s23] =	ssyncset.done $0x0  }
0x67: {  	s7 =	sadd.s32 $0x2000, s11;
	s8 =	simm.s32 $0x780;
	[sflag:s23] =	ssyncadd.s32 $0xFFFFC000  }
0x68: {  	[tilespmem:s26], [sflag:$0x4] =	stream.indirect.gather [hbm4b:s2+s14], $0x40, s9, s14, $0xb8;
	[tilespmem:$0x12000] =	vst v63  }
.LBB2_2:
0x69: {  	[tilespmem:s29], [sflag:$0x4] =	stream.indirect.gather [hbm4b:s2+s14], $0x40, s8, s14, $0xb8;
	[tilespmem:$0x12000] =	vst v63  }
0x6a: {  	s8 =	smov.u32 s28  }
0x6b: {  	p0 =	sne.s32 s28, $0x6000;
	s28 =	sadd.s32 $0x1000, s28;
	_ =	swait.ge [sflag:s0], $0x2000  }
0x6c: {  	[sflag:s0] =	ssyncset.done $0x0  }
0x6d: {  	[sflag:s0] =	ssyncadd.s32 $0xFFFFE000  }
0x6e: {  	_ =	swait.ge [sflag:s0], $0x2000  }
0x6f: {  	[sflag:s0] =	ssyncset.done $0x0  }
0x70: {  	[sflag:s0] =	ssyncadd.s32 $0xFFFFE000  }
0x71: {  	[hbm4b:s7+s3] =	stream.linear.scatter [tilespmem:s22], [sflag:$0x7], $0x4000, $0x38;
	[tilespmem:$0x12000] =	vst v63  }
0x72: {  	_ =	swait.ge [sflag:s1], $0x4000  }
0x73: {  	s8 =	sshra.s32 s8, $0x2;
	[sflag:s1] =	ssyncset.done $0x0  }
0x74: {  	s9 =	sadd.s32 $0x400, s8;
	[sflag:s1] =	ssyncadd.s32 $0xFFFFC000  }
0x75: {  	[tilespmem:s15], [sflag:$0x1] =	stream.indirect.gather [hbm4b:s2+s14], $0x40, s9, s14, $0xb8;
	[tilespmem:$0x12000] =	vst v63  }
0x76: {  	s9 =	sadd.s32 $0x480, s8  }
0x77: {  	[tilespmem:s16], [sflag:$0x1] =	stream.indirect.gather [hbm4b:s2+s14], $0x40, s9, s14, $0xb8;
	[tilespmem:$0x12000] =	vst v63  }
0x78: {  	_ =	swait.ge [sflag:s17], $0x2000  }
0x79: {  	[sflag:s17] =	ssyncset.done $0x0  }
0x7a: {  	[sflag:s17] =	ssyncadd.s32 $0xFFFFE000  }
0x7b: {  	_ =	swait.ge [sflag:s17], $0x2000  }
0x7c: {  	[sflag:s17] =	ssyncset.done $0x0  }
0x7d: {  	[sflag:s17] =	ssyncadd.s32 $0xFFFFE000  }
0x7e: {  	[hbm4b:s6+s3] =	stream.linear.scatter [tilespmem:s26], [sflag:$0x8], $0x4000, $0x38;
	[tilespmem:$0x12000] =	vst v63  }
0x7f: {  	_ =	swait.ge [sflag:s19], $0x4000  }
0x80: {  	[sflag:s19] =	ssyncset.done $0x0  }
0x81: {  	s9 =	sadd.s32 $0x500, s8;
	[sflag:s19] =	ssyncadd.s32 $0xFFFFC000  }
0x82: {  	[tilespmem:s18], [sflag:$0x2] =	stream.indirect.gather [hbm4b:s2+s14], $0x40, s9, s14, $0xb8;
	[tilespmem:$0x12000] =	vst v63  }
0x83: {  	s9 =	sadd.s32 $0x580, s8  }
0x84: {  	[tilespmem:s20], [sflag:$0x2] =	stream.indirect.gather [hbm4b:s2+s14], $0x40, s9, s14, $0xb8;
	[tilespmem:$0x12000] =	vst v63  }
0x85: {  	_ =	swait.ge [sflag:s30], $0x2000  }
0x86: {  	[sflag:s30] =	ssyncset.done $0x0  }
0x87: {  	[sflag:s30] =	ssyncadd.s32 $0xFFFFE000  }
0x88: {  	_ =	swait.ge [sflag:s30], $0x2000  }
0x89: {  	[sflag:s30] =	ssyncset.done $0x0  }
0x8a: {  	[sflag:s30] =	ssyncadd.s32 $0xFFFFE000  }
0x8b: {  	[hbm4b:s4+s3] =	stream.linear.scatter [tilespmem:s15], [sflag:$0x5], $0x4000, $0x38;
	[tilespmem:$0x12000] =	vst v63  }
0x8c: {  	_ =	swait.ge [sflag:s21], $0x4000  }
0x8d: {  	[sflag:s21] =	ssyncset.done $0x0  }
0x8e: {  	s9 =	sadd.s32 $0x600, s8;
	[sflag:s21] =	ssyncadd.s32 $0xFFFFC000  }
0x8f: {  	[tilespmem:s22], [sflag:$0x3] =	stream.indirect.gather [hbm4b:s2+s14], $0x40, s9, s14, $0xb8;
	[tilespmem:$0x12000] =	vst v63  }
0x90: {  	s9 =	sadd.s32 $0x680, s8  }
0x91: {  	[tilespmem:s24], [sflag:$0x3] =	stream.indirect.gather [hbm4b:s2+s14], $0x40, s9, s14, $0xb8;
	[tilespmem:$0x12000] =	vst v63  }
0x92: {  	_ =	swait.ge [sflag:s31], $0x2000  }
0x93: {  	[sflag:s31] =	ssyncset.done $0x0  }
0x94: {  	[sflag:s31] =	ssyncadd.s32 $0xFFFFE000  }
0x95: {  	_ =	swait.ge [sflag:s31], $0x2000  }
0x96: {  	[sflag:s31] =	ssyncset.done $0x0  }
0x97: {  	s9 =	sadd.s32 $0x800, s4;
	[sflag:s31] =	ssyncadd.s32 $0xFFFFE000  }
0x98: {  	[hbm4b:s9+s3] =	stream.linear.scatter [tilespmem:s18], [sflag:$0x6], $0x4000, $0x38;
	[tilespmem:$0x12000] =	vst v63  }
.Ltmp0:
0x99: {  	_ =	swait.ge [sflag:s23], $0x4000;
	(pc) =	sbr.rel @p0 .LBB2_2-.Ltmp0, $4  }
0x9a: {  	[sflag:s23] =	ssyncset.done $0x0  }
0x9b: {  	s4 =	sadd.s32 $0x2000, s4;
	s9 =	sadd.s32 $0x700, s8;
	[sflag:s23] =	ssyncadd.s32 $0xFFFFC000  }
0x9c: {  	[tilespmem:s26], [sflag:$0x4] =	stream.indirect.gather [hbm4b:s2+s14], $0x40, s9, s14, $0xb8;
	[tilespmem:$0x12000] =	vst v63  }
0x9d: {  	s7 =	sadd.s32 $0x2000, s7;
	s6 =	sadd.s32 $0x2000, s6;
	s8 =	sadd.s32 $0x780, s8  }
0x9e: {  	[tilespmem:s29], [sflag:$0x4] =	stream.indirect.gather [hbm4b:s2+s14], $0x40, s8, s14, $0xb8;
	[tilespmem:$0x12000] =	vst v63  }
0x9f: {  	_ =	swait.ge [sflag:s0], $0x2000  }
0xa0: {  	[sflag:s0] =	ssyncset.done $0x0  }
0xa1: {  	[sflag:s0] =	ssyncadd.s32 $0xFFFFE000  }
0xa2: {  	_ =	swait.ge [sflag:s0], $0x2000  }
0xa3: {  	[sflag:s0] =	ssyncset.done $0x0  }
0xa4: {  	s4 =	rddreg [dreg:$0x5];
	[sflag:s0] =	ssyncadd.s32 $0xFFFFE000  }
0xa5: {  	[hbm4b:s4+s3] =	stream.linear.scatter [tilespmem:s22], [sflag:$0x7], $0x4000, $0x38;
	[tilespmem:$0x12000] =	vst v63  }
0xa6: {  	_ =	swait.ge [sflag:s1], $0x4000  }
0xa7: {  	[sflag:s1] =	ssyncset.done $0x0  }
0xa8: {  	[sflag:s1] =	ssyncadd.s32 $0xFFFFC000  }
0xa9: {  	_ =	swait.ge [sflag:s17], $0x2000  }
0xaa: {  	[sflag:s17] =	ssyncset.done $0x0  }
0xab: {  	[sflag:s17] =	ssyncadd.s32 $0xFFFFE000  }
0xac: {  	_ =	swait.ge [sflag:s17], $0x2000  }
0xad: {  	[sflag:s17] =	ssyncset.done $0x0  }
0xae: {  	s9 =	rddreg [dreg:$0x6];
	[sflag:s17] =	ssyncadd.s32 $0xFFFFE000  }
0xaf: {  	[hbm4b:s9+s3] =	stream.linear.scatter [tilespmem:s26], [sflag:$0x8], $0x4000, $0x38;
	[tilespmem:$0x12000] =	vst v63  }
0xb0: {  	_ =	swait.ge [sflag:s19], $0x4000  }
0xb1: {  	[sflag:s19] =	ssyncset.done $0x0  }
0xb2: {  	[sflag:s19] =	ssyncadd.s32 $0xFFFFC000  }
0xb3: {  	_ =	swait.ge [sflag:s21], $0x4000  }
0xb4: {  	[sflag:s21] =	ssyncset.done $0x0  }
0xb5: {  	[sflag:s21] =	ssyncadd.s32 $0xFFFFC000  }
0xb6: {  	_ =	swait.ge [sflag:s23], $0x4000  }
0xb7: {  	s25 =	sadd.s32 $0x1, s25;
	s28 =	rddreg [dreg:$0x7]  }
0xb8: {  	p0 =	sne.s32 s25, s28  }
.Ltmp1:
0xb9: {  	_ = 	snop;
	(pc) =	sbr.rel @p0 .LBB2_1-.Ltmp1, $3  }
0xba: {  	_ =	sdelay $0x1  }
0xbb: {  	[sflag:s23] =	ssyncset.done $0x0  }
0xbc: {  	[sflag:s23] =	ssyncadd.s32 $0xFFFFC000  }
0xbd: {  	_ =	sfence.sel $0x180000  }
0xbe: {  	[bflag:$0x0] =	sbarrier.arrive $0xFFFF  }
0xbf: {  	_ =	strace $0x90000047  }
0xc0: {  	s0 =	stileid.u32;
	[bflag:$0x2] =	sbarrier.arrive $0xFFFF  }
0xc1: {  	p0 =	sne.s32 s0, $0x0;
	s0 =	rddreg [dreg:$0x2]  }
0xc2: {  	s0 =	sadd.s32 @!p0 $0x100000, s0  }
0xc3: {  	[sflag:s0] =	ssyncadd.tile.s32 @!p0 $0x1;
	_ =	shalt  }
.Lfunc_end2:
_tile_overlayer_lowered:
.L_overlay_start_2:
0xc4: {  	(tag) =	ssettag $0x2  }
0xc5: {  	s0 =	rddreg [dreg:$0x0];
	s2 =	stileid.u32  }
0xc6: {  	s1 =	rddreg [dreg:$0x1];
	p0 =	sne.s32 s2, $0x0  }
0xc7: {  	s3 =	rddreg [dreg:$0x2];
	[bflag:$0x3] =	sbarrier.arrive $0xFFFF;
	s2 =	simm.s32 @!p0 $0x1C09  }
0xc8: {  	[timem:s3], [sflag:s2] =	dma.local @!p0 [hbm:s0], s1  }
0xc9: {  	s0 =	simm.s32 @!p0 $0x9  }
0xca: {  	_ =	swait.ge @!p0 [sflag:s0], s1  }
0xcb: {  	s1 =	ssub.s32 @!p0 $0x0, s1;
	[sflag:s0] =	ssyncset.done @!p0 $0x0  }
0xcc: {  	[sflag:s0] =	ssyncadd.s32 @!p0 s1  }
0xcd: {  	[bflag:$0x3] =	sbarrier.arrive $0xFFFF  }
0xce: {  	_ =	shalt  }

</sc_bundles>
